<compile_context>
chip_gen: v7x
topology: tpu7x:2x2x1
jax: 0.10.2.dev20260603
libtpu: 0.0.44.dev20260713+nightly
codegen_flags: <defaults>
</compile_context>

<pallas_src>
import functools

import jax
import jax.numpy as jnp
from jax import lax
from jax.experimental import pallas as pl
from jax.experimental.pallas import tpu as pltpu
from jax.experimental.pallas import tpu_sc as plsc

B = 16384
D_ACCT = 64
D_TIME = 16
D_OUT = 96
L = 16

NC = 2
NS = 16
NW = NC * NS
BPW = B // NW

_mesh = plsc.VectorSubcoreMesh(core_axis_name="c", subcore_axis_name="s")


@functools.partial(
    pl.kernel,
    mesh=_mesh,
    out_type=jax.ShapeDtypeStruct((B * D_OUT,), jnp.float32),
    scratch_types=[
        pltpu.VMEM((BPW,), jnp.int32),
        pltpu.VMEM((24 * D_TIME,), jnp.float32),
        pltpu.VMEM((7 * D_TIME,), jnp.float32),
        pltpu.VMEM((BPW, D_ACCT), jnp.float32),
        pltpu.VMEM((BPW * D_OUT,), jnp.float32),
        pltpu.SemaphoreType.DMA,
    ],
    compiler_params=pltpu.CompilerParams(needs_layout_passes=False),
)
def _sc_embed(packed_hbm, hour_tab_hbm, wday_tab_hbm, acct_tab_hbm, out_hbm,
              packed_v, hour_v, wday_v, acct_v, out_v, sem):
    wid = lax.axis_index("s") * NC + lax.axis_index("c")
    base = wid * BPW

    pltpu.sync_copy(packed_hbm.at[wid], packed_v)
    pltpu.sync_copy(hour_tab_hbm, hour_v)
    pltpu.sync_copy(wday_tab_hbm, wday_v)

    lane = lax.broadcasted_iota(jnp.int32, (L,), 0)

    def fetch(r, _):
        vec = packed_v[pl.ds((r >> 4) << 4, L)]
        p = jnp.sum(jnp.where(lane == (r & (L - 1)), vec, 0))
        a = p & 0xFFFFF
        pltpu.async_copy(acct_tab_hbm.at[pl.ds(a, 1), :],
                         acct_v.at[pl.ds(r, 1), :], sem)
        return 0

    lax.fori_loop(0, BPW, fetch, 0, unroll=4)
    pltpu.make_async_copy(acct_tab_hbm.at[pl.ds(0, BPW)], acct_v, sem).wait()

    def assemble(r, _):
        for k in range(D_ACCT // L):
            out_v[pl.ds(r * D_OUT + k * L, L)] = acct_v[r, pl.ds(k * L, L)]
        return 0

    lax.fori_loop(0, BPW, assemble, 0, unroll=4)

    def towers(g, _):
        i0 = g * L
        vec = packed_v[pl.ds(i0, L)]
        hrow = ((vec >> 20) & 31) * D_TIME
        wrow = ((vec >> 25) & 7) * D_TIME
        opos = (i0 + lane) * D_OUT
        for j in range(D_TIME):
            hv = plsc.load_gather(hour_v, [hrow + j])
            plsc.store_scatter(out_v, [opos + (D_ACCT + j)], hv)
            wv = plsc.load_gather(wday_v, [wrow + j])
            plsc.store_scatter(out_v, [opos + (D_ACCT + D_TIME + j)], wv)
        return 0

    lax.fori_loop(0, BPW // L, towers, 0)

    pltpu.sync_copy(out_v, out_hbm.at[pl.ds(base * D_OUT, BPW * D_OUT)])


def kernel(account_id, order_hour, order_weekday, account_table, hour_table, weekday_table):
    aid = account_id.astype(jnp.int32)
    packed = (aid | (order_hour.astype(jnp.int32) << 20)
              | (order_weekday.astype(jnp.int32) << 25)).reshape(NW, BPW)
    out = _sc_embed(packed, hour_table.reshape(-1), weekday_table.reshape(-1),
                    account_table)
    return out.reshape(B, D_OUT)

# --- scband reference (transcript-rebuilt; emitter-appended) ---
"""Pipeline reference for scband-user-model-v1-8134668059050 (READ-ONLY COPY).

The authoritative reference and input builder live on the scoring server;
editing this copy changes nothing except your own understanding.
"""

import jax, jax.numpy as jnp
import numpy as np

B = 16384
V_ACCOUNT = 1000000
D_USER = 64
D_TIME = 16

def setup_inputs(seed: int = 0) -> dict:
    key = jax.random.key(seed)
    k1, k2, k3, k4, k5, k6 = jax.random.split(key, 6)
    account_id = jax.random.randint(k1, (B,), 0, V_ACCOUNT)
    order_hour = jax.random.randint(k2, (B,), 0, 24)
    order_weekday = jax.random.randint(k3, (B,), 0, 7)
    # Learned parameters. StringLookup maps vocab -> [1..V] with 0 reserved for OOV,
    # so the account embedding table has V_ACCOUNT + 1 rows (matching Embedding(len(vocab)+1, D)).
    account_table = jax.random.normal(k4, (V_ACCOUNT + 1, D_USER), dtype=jnp.float32) * 0.02
    hour_table = jax.random.normal(k5, (24, D_TIME), dtype=jnp.float32) * 0.02
    weekday_table = jax.random.normal(k6, (7, D_TIME), dtype=jnp.float32) * 0.02
    return {
        "account_id": account_id,
        "order_hour": order_hour,
        "order_weekday": order_weekday,
        "account_table": account_table,
        "hour_table": hour_table,
        "weekday_table": weekday_table,
    }

def reference(account_id, order_hour, order_weekday, account_table, hour_table, weekday_table):
    # account tower: StringLookup (modeled as pre-resolved int indices, shifted by +0 here
    # since indices are drawn in [0, V); lookup into [V+1, D] table) -> Embedding gather
    acct_emb = jnp.take(account_table, account_id, axis=0)        # [B, 64]
    # order_hour tower: int lookup -> Embedding gather
    hour_emb = jnp.take(hour_table, order_hour, axis=0)           # [B, 16]
    # order_weekday tower: int lookup -> Embedding gather
    wday_emb = jnp.take(weekday_table, order_weekday, axis=0)     # [B, 16]
    # UserModelV1.call: concat of per-feature partial towers along axis=1
    out = jnp.concatenate([acct_emb, hour_emb, wday_emb], axis=1)  # [B, 96]
    return out

if __name__ == "__main__":
    import jax
    _d = setup_inputs()
    print(jax.jit(kernel)(*tuple(_d.values())))

</pallas_src>

<mosaic_0001>
#map = affine_map<(d0, d1) -> (0, 0)>
#map1 = affine_map<(d0, d1) -> (0)>
module attributes {stable_mosaic.version = 14 : i64} {
  func.func @_sc_embed(%arg0: i32, %arg1: i32, %arg2: memref<32x512xi32, #tpu.memory_space<hbm>>, %arg3: memref<384xf32, #tpu.memory_space<hbm>>, %arg4: memref<112xf32, #tpu.memory_space<hbm>>, %arg5: memref<1000001x64xf32, #tpu.memory_space<hbm>>, %arg6: memref<1572864xf32, #tpu.memory_space<hbm>>, %arg7: memref<512xi32, #tpu.memory_space<vmem>>, %arg8: memref<384xf32, #tpu.memory_space<vmem>>, %arg9: memref<112xf32, #tpu.memory_space<vmem>>, %arg10: memref<512x64xf32, #tpu.memory_space<vmem>>, %arg11: memref<49152xf32, #tpu.memory_space<vmem>>, %arg12: memref<!tpu.dma_semaphore, #tpu.memory_space<semaphore_mem>>) attributes {dimension_semantics = [#tpu.dimension_semantics<core_parallel>, #tpu.dimension_semantics<subcore_parallel>], iteration_bounds = array<i64: 2, 16>, scalar_prefetch = 0 : i64, scratch_operands = 6 : i64, tpu.core_type = #tpu.core_type<sc_vector_subcore>, window_params = [{transform_indices = #map}, {transform_indices = #map1}, {transform_indices = #map1}, {transform_indices = #map}, {transform_indices = #map1}]} {
    %mul3A = arith.constant 2 : i32
    %mul3A_0 = arith.muli %arg1, %mul3A : i32
    %add3A = arith.addi %mul3A_0, %arg0 : i32
    %mul3A_1 = arith.constant 512 : i32
    %mul3A_2 = arith.muli %add3A, %mul3A_1 : i32
    "tpu.region"() ({
      %run_scoped3A = tpu.sem_alloc : memref<!tpu.dma_semaphore, #tpu.memory_space<semaphore_mem>>
      %dma_start3A = arith.constant 0 : i32
      %dma_start3A_30 = tpu.memref_slice %arg2[%add3A, %dma_start3A] : memref<32x512xi32, #tpu.memory_space<hbm>> -> memref<1x512xi32, #tpu.memory_space<hbm>>
      %dma_start3A_31 = tpu.memref_squeeze %dma_start3A_30 : memref<1x512xi32, #tpu.memory_space<hbm>> -> memref<512xi32, #tpu.memory_space<hbm>>
      %dma_start3A_32 = arith.constant 0 : i32
      %dma_start3A_33 = tpu.memref_slice %arg2[%add3A, %dma_start3A_32] : memref<32x512xi32, #tpu.memory_space<hbm>> -> memref<1x512xi32, #tpu.memory_space<hbm>>
      %dma_start3A_34 = tpu.memref_squeeze %dma_start3A_33 : memref<1x512xi32, #tpu.memory_space<hbm>> -> memref<512xi32, #tpu.memory_space<hbm>>
      tpu.enqueue_dma source(%dma_start3A_34 : memref<512xi32, #tpu.memory_space<hbm>>) target(%arg7 : memref<512xi32, #tpu.memory_space<vmem>>) target_semaphore(%run_scoped3A : memref<!tpu.dma_semaphore, #tpu.memory_space<semaphore_mem>>)
      %dma_wait3A_35 = arith.constant 0 : i32
      %dma_wait3A_36 = tpu.memref_slice %arg2[%add3A, %dma_wait3A_35] : memref<32x512xi32, #tpu.memory_space<hbm>> -> memref<1x512xi32, #tpu.memory_space<hbm>>
      %dma_wait3A_37 = tpu.memref_squeeze %dma_wait3A_36 : memref<1x512xi32, #tpu.memory_space<hbm>> -> memref<512xi32, #tpu.memory_space<hbm>>
      %dma_wait3A_38 = arith.constant 0 : i32
      %dma_wait3A_39 = tpu.memref_slice %arg2[%add3A, %dma_wait3A_38] : memref<32x512xi32, #tpu.memory_space<hbm>> -> memref<1x512xi32, #tpu.memory_space<hbm>>
      %dma_wait3A_40 = tpu.memref_squeeze %dma_wait3A_39 : memref<1x512xi32, #tpu.memory_space<hbm>> -> memref<512xi32, #tpu.memory_space<hbm>>
      tpu.wait_dma2 semaphore(%run_scoped3A : memref<!tpu.dma_semaphore, #tpu.memory_space<semaphore_mem>>) src(%dma_wait3A_40 : memref<512xi32, #tpu.memory_space<hbm>>) dst(%arg7 : memref<512xi32, #tpu.memory_space<vmem>>)
      tpu.yield
    }) : () -> ()
    "tpu.region"() ({
      %run_scoped3A = tpu.sem_alloc : memref<!tpu.dma_semaphore, #tpu.memory_space<semaphore_mem>>
      tpu.enqueue_dma source(%arg3 : memref<384xf32, #tpu.memory_space<hbm>>) target(%arg8 : memref<384xf32, #tpu.memory_space<vmem>>) target_semaphore(%run_scoped3A : memref<!tpu.dma_semaphore, #tpu.memory_space<semaphore_mem>>)
      tpu.wait_dma2 semaphore(%run_scoped3A : memref<!tpu.dma_semaphore, #tpu.memory_space<semaphore_mem>>) src(%arg3 : memref<384xf32, #tpu.memory_space<hbm>>) dst(%arg8 : memref<384xf32, #tpu.memory_space<vmem>>)
      tpu.yield
    }) : () -> ()
    "tpu.region"() ({
      %run_scoped3A = tpu.sem_alloc : memref<!tpu.dma_semaphore, #tpu.memory_space<semaphore_mem>>
      tpu.enqueue_dma source(%arg4 : memref<112xf32, #tpu.memory_space<hbm>>) target(%arg9 : memref<112xf32, #tpu.memory_space<vmem>>) target_semaphore(%run_scoped3A : memref<!tpu.dma_semaphore, #tpu.memory_space<semaphore_mem>>)
      tpu.wait_dma2 semaphore(%run_scoped3A : memref<!tpu.dma_semaphore, #tpu.memory_space<semaphore_mem>>) src(%arg4 : memref<112xf32, #tpu.memory_space<hbm>>) dst(%arg9 : memref<112xf32, #tpu.memory_space<vmem>>)
      tpu.yield
    }) : () -> ()
    %iota3A = tpu.iota {dimensions = array<i32: 0>} : vector<16xi32>
    %scan3A = arith.constant 0 : i32
    %scan3A_3 = arith.constant 0 : i32
    %scan3A_4 = arith.constant 512 : i32
    %scan3A_5 = arith.addi %scan3A_3, %scan3A_4 : i32
    %scan3A_6 = arith.constant 4 : i32
    %scan3A_7 = scf.for %scan3A_30 = %scan3A_3 to %scan3A_5 step %scan3A_6 iter_args(%scan3A_31 = %scan3A) -> (i32)  : i32 {
      %shift_right_arithmetic3A = arith.constant 4 : i32
      %shift_right_arithmetic3A_32 = arith.shrsi %scan3A_30, %shift_right_arithmetic3A : i32
      %shift_left3A = arith.constant 4 : i32
      %shift_left3A_33 = arith.shli %shift_right_arithmetic3A_32, %shift_left3A : i32
      %get3A = arith.index_cast %shift_left3A_33 : i32 to index
      %get3A_34 = tpu.vector_load %arg7[%get3A] {strides = array<i32>} : memref<512xi32, #tpu.memory_space<vmem>>, vector<16xi32>,
      %and3A = arith.constant 15 : i32
      %and3A_35 = arith.andi %scan3A_30, %and3A : i32
      %eq3A = vector.broadcast %and3A_35 : i32 to vector<16xi32>
      %eq3A_36 = arith.cmpi eq, %iota3A, %eq3A : vector<16xi32>
      %jit3A = arith.constant 0 : i32
      %broadcast_in_dim3A = vector.broadcast %jit3A : i32 to vector<16xi32>
      %select_n3A = arith.select %eq3A_36, %get3A_34, %broadcast_in_dim3A : vector<16xi1>, vector<16xi32>
      %reduce_sum3A = arith.constant true
      %reduce_sum3A_37 = vector.broadcast %reduce_sum3A : i1 to vector<16xi1>
      %reduce_sum3A_38 = tpu.scan <sum>, %select_n3A masked %reduce_sum3A_37 : vector<16xi32>, vector<16xi1> -> vector<16xi32>
      %reduce_sum3A_39 = vector.extract %reduce_sum3A_38[15] : i32 from vector<16xi32>
      %and3A_40 = arith.constant 1048575 : i32
      %and3A_41 = arith.andi %reduce_sum3A_39, %and3A_40 : i32
      %dma_start3A = arith.constant 0 : i32
      %dma_start3A_42 = tpu.memref_slice %arg10[%scan3A_30, %dma_start3A] : memref<512x64xf32, #tpu.memory_space<vmem>> -> memref<1x64xf32, #tpu.memory_space<vmem>>
      %dma_start3A_43 = arith.constant 0 : i32
      %dma_start3A_44 = tpu.memref_slice %arg5[%and3A_41, %dma_start3A_43] : memref<1000001x64xf32, #tpu.memory_space<hbm>> -> memref<1x64xf32, #tpu.memory_space<hbm>>
      %dma_start3A_45 = arith.constant 0 : i32
      %dma_start3A_46 = tpu.memref_slice %arg10[%scan3A_30, %dma_start3A_45] : memref<512x64xf32, #tpu.memory_space<vmem>> -> memref<1x64xf32, #tpu.memory_space<vmem>>
      %dma_start3A_47 = arith.constant 0 : i32
      %dma_start3A_48 = tpu.memref_slice %arg5[%and3A_41, %dma_start3A_47] : memref<1000001x64xf32, #tpu.memory_space<hbm>> -> memref<1x64xf32, #tpu.memory_space<hbm>>
      tpu.enqueue_dma source(%dma_start3A_48 : memref<1x64xf32, #tpu.memory_space<hbm>>) target(%dma_start3A_46 : memref<1x64xf32, #tpu.memory_space<vmem>>) target_semaphore(%arg12 : memref<!tpu.dma_semaphore, #tpu.memory_space<semaphore_mem>>)
      %scan3A_49 = arith.constant 0 : i32
      %scan3A_50 = arith.constant 1 : i32
      %scan3A_51 = arith.addi %scan3A_30, %scan3A_50 : i32
      %shift_right_arithmetic3A_52 = arith.constant 4 : i32
      %shift_right_arithmetic3A_53 = arith.shrsi %scan3A_51, %shift_right_arithmetic3A_52 : i32
      %shift_left3A_54 = arith.constant 4 : i32
      %shift_left3A_55 = arith.shli %shift_right_arithmetic3A_53, %shift_left3A_54 : i32
      %get3A_56 = arith.index_cast %shift_left3A_55 : i32 to index
      %get3A_57 = tpu.vector_load %arg7[%get3A_56] {strides = array<i32>} : memref<512xi32, #tpu.memory_space<vmem>>, vector<16xi32>,
      %and3A_58 = arith.constant 15 : i32
      %and3A_59 = arith.andi %scan3A_51, %and3A_58 : i32
      %eq3A_60 = vector.broadcast %and3A_59 : i32 to vector<16xi32>
      %eq3A_61 = arith.cmpi eq, %iota3A, %eq3A_60 : vector<16xi32>
      %jit3A_62 = arith.constant 0 : i32
      %broadcast_in_dim3A_63 = vector.broadcast %jit3A_62 : i32 to vector<16xi32>
      %select_n3A_64 = arith.select %eq3A_61, %get3A_57, %broadcast_in_dim3A_63 : vector<16xi1>, vector<16xi32>
      %reduce_sum3A_65 = arith.constant true
      %reduce_sum3A_66 = vector.broadcast %reduce_sum3A_65 : i1 to vector<16xi1>
      %reduce_sum3A_67 = tpu.scan <sum>, %select_n3A_64 masked %reduce_sum3A_66 : vector<16xi32>, vector<16xi1> -> vector<16xi32>
      %reduce_sum3A_68 = vector.extract %reduce_sum3A_67[15] : i32 from vector<16xi32>
      %and3A_69 = arith.constant 1048575 : i32
      %and3A_70 = arith.andi %reduce_sum3A_68, %and3A_69 : i32
      %dma_start3A_71 = arith.constant 0 : i32
      %dma_start3A_72 = tpu.memref_slice %arg10[%scan3A_51, %dma_start3A_71] : memref<512x64xf32, #tpu.memory_space<vmem>> -> memref<1x64xf32, #tpu.memory_space<vmem>>
      %dma_start3A_73 = arith.constant 0 : i32
      %dma_start3A_74 = tpu.memref_slice %arg5[%and3A_70, %dma_start3A_73] : memref<1000001x64xf32, #tpu.memory_space<hbm>> -> memref<1x64xf32, #tpu.memory_space<hbm>>
      %dma_start3A_75 = arith.constant 0 : i32
      %dma_start3A_76 = tpu.memref_slice %arg10[%scan3A_51, %dma_start3A_75] : memref<512x64xf32, #tpu.memory_space<vmem>> -> memref<1x64xf32, #tpu.memory_space<vmem>>
      %dma_start3A_77 = arith.constant 0 : i32
      %dma_start3A_78 = tpu.memref_slice %arg5[%and3A_70, %dma_start3A_77] : memref<1000001x64xf32, #tpu.memory_space<hbm>> -> memref<1x64xf32, #tpu.memory_space<hbm>>
      tpu.enqueue_dma source(%dma_start3A_78 : memref<1x64xf32, #tpu.memory_space<hbm>>) target(%dma_start3A_76 : memref<1x64xf32, #tpu.memory_space<vmem>>) target_semaphore(%arg12 : memref<!tpu.dma_semaphore, #tpu.memory_space<semaphore_mem>>)
      %scan3A_79 = arith.constant 0 : i32
      %scan3A_80 = arith.constant 2 : i32
      %scan3A_81 = arith.addi %scan3A_30, %scan3A_80 : i32
      %shift_right_arithmetic3A_82 = arith.constant 4 : i32
      %shift_right_arithmetic3A_83 = arith.shrsi %scan3A_81, %shift_right_arithmetic3A_82 : i32
      %shift_left3A_84 = arith.constant 4 : i32
      %shift_left3A_85 = arith.shli %shift_right_arithmetic3A_83, %shift_left3A_84 : i32
      %get3A_86 = arith.index_cast %shift_left3A_85 : i32 to index
      %get3A_87 = tpu.vector_load %arg7[%get3A_86] {strides = array<i32>} : memref<512xi32, #tpu.memory_space<vmem>>, vector<16xi32>,
      %and3A_88 = arith.constant 15 : i32
      %and3A_89 = arith.andi %scan3A_81, %and3A_88 : i32
      %eq3A_90 = vector.broadcast %and3A_89 : i32 to vector<16xi32>
      %eq3A_91 = arith.cmpi eq, %iota3A, %eq3A_90 : vector<16xi32>
      %jit3A_92 = arith.constant 0 : i32
      %broadcast_in_dim3A_93 = vector.broadcast %jit3A_92 : i32 to vector<16xi32>
      %select_n3A_94 = arith.select %eq3A_91, %get3A_87, %broadcast_in_dim3A_93 : vector<16xi1>, vector<16xi32>
      %reduce_sum3A_95 = arith.constant true
      %reduce_sum3A_96 = vector.broadcast %reduce_sum3A_95 : i1 to vector<16xi1>
      %reduce_sum3A_97 = tpu.scan <sum>, %select_n3A_94 masked %reduce_sum3A_96 : vector<16xi32>, vector<16xi1> -> vector<16xi32>
      %reduce_sum3A_98 = vector.extract %reduce_sum3A_97[15] : i32 from vector<16xi32>
      %and3A_99 = arith.constant 1048575 : i32
      %and3A_100 = arith.andi %reduce_sum3A_98, %and3A_99 : i32
      %dma_start3A_101 = arith.constant 0 : i32
      %dma_start3A_102 = tpu.memref_slice %arg10[%scan3A_81, %dma_start3A_101] : memref<512x64xf32, #tpu.memory_space<vmem>> -> memref<1x64xf32, #tpu.memory_space<vmem>>
      %dma_start3A_103 = arith.constant 0 : i32
      %dma_start3A_104 = tpu.memref_slice %arg5[%and3A_100, %dma_start3A_103] : memref<1000001x64xf32, #tpu.memory_space<hbm>> -> memref<1x64xf32, #tpu.memory_space<hbm>>
      %dma_start3A_105 = arith.constant 0 : i32
      %dma_start3A_106 = tpu.memref_slice %arg10[%scan3A_81, %dma_start3A_105] : memref<512x64xf32, #tpu.memory_space<vmem>> -> memref<1x64xf32, #tpu.memory_space<vmem>>
      %dma_start3A_107 = arith.constant 0 : i32
      %dma_start3A_108 = tpu.memref_slice %arg5[%and3A_100, %dma_start3A_107] : memref<1000001x64xf32, #tpu.memory_space<hbm>> -> memref<1x64xf32, #tpu.memory_space<hbm>>
      tpu.enqueue_dma source(%dma_start3A_108 : memref<1x64xf32, #tpu.memory_space<hbm>>) target(%dma_start3A_106 : memref<1x64xf32, #tpu.memory_space<vmem>>) target_semaphore(%arg12 : memref<!tpu.dma_semaphore, #tpu.memory_space<semaphore_mem>>)
      %scan3A_109 = arith.constant 0 : i32
      %scan3A_110 = arith.constant 3 : i32
      %scan3A_111 = arith.addi %scan3A_30, %scan3A_110 : i32
      %shift_right_arithmetic3A_112 = arith.constant 4 : i32
      %shift_right_arithmetic3A_113 = arith.shrsi %scan3A_111, %shift_right_arithmetic3A_112 : i32
      %shift_left3A_114 = arith.constant 4 : i32
      %shift_left3A_115 = arith.shli %shift_right_arithmetic3A_113, %shift_left3A_114 : i32
      %get3A_116 = arith.index_cast %shift_left3A_115 : i32 to index
      %get3A_117 = tpu.vector_load %arg7[%get3A_116] {strides = array<i32>} : memref<512xi32, #tpu.memory_space<vmem>>, vector<16xi32>,
      %and3A_118 = arith.constant 15 : i32
      %and3A_119 = arith.andi %scan3A_111, %and3A_118 : i32
      %eq3A_120 = vector.broadcast %and3A_119 : i32 to vector<16xi32>
      %eq3A_121 = arith.cmpi eq, %iota3A, %eq3A_120 : vector<16xi32>
      %jit3A_122 = arith.constant 0 : i32
      %broadcast_in_dim3A_123 = vector.broadcast %jit3A_122 : i32 to vector<16xi32>
      %select_n3A_124 = arith.select %eq3A_121, %get3A_117, %broadcast_in_dim3A_123 : vector<16xi1>, vector<16xi32>
      %reduce_sum3A_125 = arith.constant true
      %reduce_sum3A_126 = vector.broadcast %reduce_sum3A_125 : i1 to vector<16xi1>
      %reduce_sum3A_127 = tpu.scan <sum>, %select_n3A_124 masked %reduce_sum3A_126 : vector<16xi32>, vector<16xi1> -> vector<16xi32>
      %reduce_sum3A_128 = vector.extract %reduce_sum3A_127[15] : i32 from vector<16xi32>
      %and3A_129 = arith.constant 1048575 : i32
      %and3A_130 = arith.andi %reduce_sum3A_128, %and3A_129 : i32
      %dma_start3A_131 = arith.constant 0 : i32
      %dma_start3A_132 = tpu.memref_slice %arg10[%scan3A_111, %dma_start3A_131] : memref<512x64xf32, #tpu.memory_space<vmem>> -> memref<1x64xf32, #tpu.memory_space<vmem>>
      %dma_start3A_133 = arith.constant 0 : i32
      %dma_start3A_134 = tpu.memref_slice %arg5[%and3A_130, %dma_start3A_133] : memref<1000001x64xf32, #tpu.memory_space<hbm>> -> memref<1x64xf32, #tpu.memory_space<hbm>>
      %dma_start3A_135 = arith.constant 0 : i32
      %dma_start3A_136 = tpu.memref_slice %arg10[%scan3A_111, %dma_start3A_135] : memref<512x64xf32, #tpu.memory_space<vmem>> -> memref<1x64xf32, #tpu.memory_space<vmem>>
      %dma_start3A_137 = arith.constant 0 : i32
      %dma_start3A_138 = tpu.memref_slice %arg5[%and3A_130, %dma_start3A_137] : memref<1000001x64xf32, #tpu.memory_space<hbm>> -> memref<1x64xf32, #tpu.memory_space<hbm>>
      tpu.enqueue_dma source(%dma_start3A_138 : memref<1x64xf32, #tpu.memory_space<hbm>>) target(%dma_start3A_136 : memref<1x64xf32, #tpu.memory_space<vmem>>) target_semaphore(%arg12 : memref<!tpu.dma_semaphore, #tpu.memory_space<semaphore_mem>>)
      %scan3A_139 = arith.constant 0 : i32
      scf.yield %scan3A_139 : i32
    }
    %scan3A_8 = arith.constant 512 : i32
    %dma_wait3A = arith.constant 0 : i32
    %dma_wait3A_9 = arith.constant 0 : i32
    %dma_wait3A_10 = tpu.memref_slice %arg5[%dma_wait3A, %dma_wait3A_9] : memref<1000001x64xf32, #tpu.memory_space<hbm>> -> memref<512x64xf32, #tpu.memory_space<hbm>>
    %dma_wait3A_11 = arith.constant 0 : i32
    %dma_wait3A_12 = arith.constant 0 : i32
    %dma_wait3A_13 = tpu.memref_slice %arg5[%dma_wait3A_11, %dma_wait3A_12] : memref<1000001x64xf32, #tpu.memory_space<hbm>> -> memref<512x64xf32, #tpu.memory_space<hbm>>
    tpu.wait_dma2 semaphore(%arg12 : memref<!tpu.dma_semaphore, #tpu.memory_space<semaphore_mem>>) src(%dma_wait3A_13 : memref<512x64xf32, #tpu.memory_space<hbm>>) dst(%arg10 : memref<512x64xf32, #tpu.memory_space<vmem>>)
    %scan3A_14 = arith.constant 0 : i32
    %scan3A_15 = arith.constant 0 : i32
    %scan3A_16 = arith.constant 512 : i32
    %scan3A_17 = arith.addi %scan3A_15, %scan3A_16 : i32
    %scan3A_18 = arith.constant 4 : i32
    %scan3A_19 = scf.for %scan3A_30 = %scan3A_15 to %scan3A_17 step %scan3A_18 iter_args(%scan3A_31 = %scan3A_14) -> (i32)  : i32 {
      %get3A = arith.index_cast %scan3A_30 : i32 to index
      %get3A_32 = arith.constant 0 : index
      %get3A_33 = tpu.vector_load %arg10[%get3A, %get3A_32] {strides = array<i32>} : memref<512x64xf32, #tpu.memory_space<vmem>>, vector<16xf32>,
      %mul3A_34 = arith.constant 96 : i32
      %mul3A_35 = arith.muli %scan3A_30, %mul3A_34 : i32
      %add3A_36 = arith.constant 0 : i32
      %add3A_37 = arith.addi %mul3A_35, %add3A_36 : i32
      %swap3A = arith.index_cast %add3A_37 : i32 to index
      %swap3A_38 = tpu.vector_load %arg11[%swap3A] {strides = array<i32>} : memref<49152xf32, #tpu.memory_space<vmem>>, vector<16xf32>,
      tpu.vector_store %arg11[%swap3A], %get3A_33 {strides = array<i32>} : memref<49152xf32, #tpu.memory_space<vmem>>, vector<16xf32>,
      %get3A_39 = arith.index_cast %scan3A_30 : i32 to index
      %get3A_40 = arith.constant 16 : index
      %get3A_41 = tpu.vector_load %arg10[%get3A_39, %get3A_40] {strides = array<i32>} : memref<512x64xf32, #tpu.memory_space<vmem>>, vector<16xf32>,
      %mul3A_42 = arith.constant 96 : i32
      %mul3A_43 = arith.muli %scan3A_30, %mul3A_42 : i32
      %add3A_44 = arith.constant 16 : i32
      %add3A_45 = arith.addi %mul3A_43, %add3A_44 : i32
      %swap3A_46 = arith.index_cast %add3A_45 : i32 to index
      %swap3A_47 = tpu.vector_load %arg11[%swap3A_46] {strides = array<i32>} : memref<49152xf32, #tpu.memory_space<vmem>>, vector<16xf32>,
      tpu.vector_store %arg11[%swap3A_46], %get3A_41 {strides = array<i32>} : memref<49152xf32, #tpu.memory_space<vmem>>, vector<16xf32>,
      %get3A_48 = arith.index_cast %scan3A_30 : i32 to index
      %get3A_49 = arith.constant 32 : index
      %get3A_50 = tpu.vector_load %arg10[%get3A_48, %get3A_49] {strides = array<i32>} : memref<512x64xf32, #tpu.memory_space<vmem>>, vector<16xf32>,
      %mul3A_51 = arith.constant 96 : i32
      %mul3A_52 = arith.muli %scan3A_30, %mul3A_51 : i32
      %add3A_53 = arith.constant 32 : i32
      %add3A_54 = arith.addi %mul3A_52, %add3A_53 : i32
      %swap3A_55 = arith.index_cast %add3A_54 : i32 to index
      %swap3A_56 = tpu.vector_load %arg11[%swap3A_55] {strides = array<i32>} : memref<49152xf32, #tpu.memory_space<vmem>>, vector<16xf32>,
      tpu.vector_store %arg11[%swap3A_55], %get3A_50 {strides = array<i32>} : memref<49152xf32, #tpu.memory_space<vmem>>, vector<16xf32>,
      %get3A_57 = arith.index_cast %scan3A_30 : i32 to index
      %get3A_58 = arith.constant 48 : index
      %get3A_59 = tpu.vector_load %arg10[%get3A_57, %get3A_58] {strides = array<i32>} : memref<512x64xf32, #tpu.memory_space<vmem>>, vector<16xf32>,
      %mul3A_60 = arith.constant 96 : i32
      %mul3A_61 = arith.muli %scan3A_30, %mul3A_60 : i32
      %add3A_62 = arith.constant 48 : i32
      %add3A_63 = arith.addi %mul3A_61, %add3A_62 : i32
      %swap3A_64 = arith.index_cast %add3A_63 : i32 to index
      %swap3A_65 = tpu.vector_load %arg11[%swap3A_64] {strides = array<i32>} : memref<49152xf32, #tpu.memory_space<vmem>>, vector<16xf32>,
      tpu.vector_store %arg11[%swap3A_64], %get3A_59 {strides = array<i32>} : memref<49152xf32, #tpu.memory_space<vmem>>, vector<16xf32>,
      %scan3A_66 = arith.constant 0 : i32
      %scan3A_67 = arith.constant 1 : i32
      %scan3A_68 = arith.addi %scan3A_30, %scan3A_67 : i32
      %get3A_69 = arith.index_cast %scan3A_68 : i32 to index
      %get3A_70 = arith.constant 0 : index
      %get3A_71 = tpu.vector_load %arg10[%get3A_69, %get3A_70] {strides = array<i32>} : memref<512x64xf32, #tpu.memory_space<vmem>>, vector<16xf32>,
      %mul3A_72 = arith.constant 96 : i32
      %mul3A_73 = arith.muli %scan3A_68, %mul3A_72 : i32
      %add3A_74 = arith.constant 0 : i32
      %add3A_75 = arith.addi %mul3A_73, %add3A_74 : i32
      %swap3A_76 = arith.index_cast %add3A_75 : i32 to index
      %swap3A_77 = tpu.vector_load %arg11[%swap3A_76] {strides = array<i32>} : memref<49152xf32, #tpu.memory_space<vmem>>, vector<16xf32>,
      tpu.vector_store %arg11[%swap3A_76], %get3A_71 {strides = array<i32>} : memref<49152xf32, #tpu.memory_space<vmem>>, vector<16xf32>,
      %get3A_78 = arith.index_cast %scan3A_68 : i32 to index
      %get3A_79 = arith.constant 16 : index
      %get3A_80 = tpu.vector_load %arg10[%get3A_78, %get3A_79] {strides = array<i32>} : memref<512x64xf32, #tpu.memory_space<vmem>>, vector<16xf32>,
      %mul3A_81 = arith.constant 96 : i32
      %mul3A_82 = arith.muli %scan3A_68, %mul3A_81 : i32
      %add3A_83 = arith.constant 16 : i32
      %add3A_84 = arith.addi %mul3A_82, %add3A_83 : i32
      %swap3A_85 = arith.index_cast %add3A_84 : i32 to index
      %swap3A_86 = tpu.vector_load %arg11[%swap3A_85] {strides = array<i32>} : memref<49152xf32, #tpu.memory_space<vmem>>, vector<16xf32>,
      tpu.vector_store %arg11[%swap3A_85], %get3A_80 {strides = array<i32>} : memref<49152xf32, #tpu.memory_space<vmem>>, vector<16xf32>,
      %get3A_87 = arith.index_cast %scan3A_68 : i32 to index
      %get3A_88 = arith.constant 32 : index
      %get3A_89 = tpu.vector_load %arg10[%get3A_87, %get3A_88] {strides = array<i32>} : memref<512x64xf32, #tpu.memory_space<vmem>>, vector<16xf32>,
      %mul3A_90 = arith.constant 96 : i32
      %mul3A_91 = arith.muli %scan3A_68, %mul3A_90 : i32
      %add3A_92 = arith.constant 32 : i32
      %add3A_93 = arith.addi %mul3A_91, %add3A_92 : i32
      %swap3A_94 = arith.index_cast %add3A_93 : i32 to index
      %swap3A_95 = tpu.vector_load %arg11[%swap3A_94] {strides = array<i32>} : memref<49152xf32, #tpu.memory_space<vmem>>, vector<16xf32>,
      tpu.vector_store %arg11[%swap3A_94], %get3A_89 {strides = array<i32>} : memref<49152xf32, #tpu.memory_space<vmem>>, vector<16xf32>,
      %get3A_96 = arith.index_cast %scan3A_68 : i32 to index
      %get3A_97 = arith.constant 48 : index
      %get3A_98 = tpu.vector_load %arg10[%get3A_96, %get3A_97] {strides = array<i32>} : memref<512x64xf32, #tpu.memory_space<vmem>>, vector<16xf32>,
      %mul3A_99 = arith.constant 96 : i32
      %mul3A_100 = arith.muli %scan3A_68, %mul3A_99 : i32
      %add3A_101 = arith.constant 48 : i32
      %add3A_102 = arith.addi %mul3A_100, %add3A_101 : i32
      %swap3A_103 = arith.index_cast %add3A_102 : i32 to index
      %swap3A_104 = tpu.vector_load %arg11[%swap3A_103] {strides = array<i32>} : memref<49152xf32, #tpu.memory_space<vmem>>, vector<16xf32>,
      tpu.vector_store %arg11[%swap3A_103], %get3A_98 {strides = array<i32>} : memref<49152xf32, #tpu.memory_space<vmem>>, vector<16xf32>,
      %scan3A_105 = arith.constant 0 : i32
      %scan3A_106 = arith.constant 2 : i32
      %scan3A_107 = arith.addi %scan3A_30, %scan3A_106 : i32
      %get3A_108 = arith.index_cast %scan3A_107 : i32 to index
      %get3A_109 = arith.constant 0 : index
      %get3A_110 = tpu.vector_load %arg10[%get3A_108, %get3A_109] {strides = array<i32>} : memref<512x64xf32, #tpu.memory_space<vmem>>, vector<16xf32>,
      %mul3A_111 = arith.constant 96 : i32
      %mul3A_112 = arith.muli %scan3A_107, %mul3A_111 : i32
      %add3A_113 = arith.constant 0 : i32
      %add3A_114 = arith.addi %mul3A_112, %add3A_113 : i32
      %swap3A_115 = arith.index_cast %add3A_114 : i32 to index
      %swap3A_116 = tpu.vector_load %arg11[%swap3A_115] {strides = array<i32>} : memref<49152xf32, #tpu.memory_space<vmem>>, vector<16xf32>,
      tpu.vector_store %arg11[%swap3A_115], %get3A_110 {strides = array<i32>} : memref<49152xf32, #tpu.memory_space<vmem>>, vector<16xf32>,
      %get3A_117 = arith.index_cast %scan3A_107 : i32 to index
      %get3A_118 = arith.constant 16 : index
      %get3A_119 = tpu.vector_load %arg10[%get3A_117, %get3A_118] {strides = array<i32>} : memref<512x64xf32, #tpu.memory_space<vmem>>, vector<16xf32>,
      %mul3A_120 = arith.constant 96 : i32
      %mul3A_121 = arith.muli %scan3A_107, %mul3A_120 : i32
      %add3A_122 = arith.constant 16 : i32
      %add3A_123 = arith.addi %mul3A_121, %add3A_122 : i32
      %swap3A_124 = arith.index_cast %add3A_123 : i32 to index
      %swap3A_125 = tpu.vector_load %arg11[%swap3A_124] {strides = array<i32>} : memref<49152xf32, #tpu.memory_space<vmem>>, vector<16xf32>,
      tpu.vector_store %arg11[%swap3A_124], %get3A_119 {strides = array<i32>} : memref<49152xf32, #tpu.memory_space<vmem>>, vector<16xf32>,
      %get3A_126 = arith.index_cast %scan3A_107 : i32 to index
      %get3A_127 = arith.constant 32 : index
      %get3A_128 = tpu.vector_load %arg10[%get3A_126, %get3A_127] {strides = array<i32>} : memref<512x64xf32, #tpu.memory_space<vmem>>, vector<16xf32>,
      %mul3A_129 = arith.constant 96 : i32
      %mul3A_130 = arith.muli %scan3A_107, %mul3A_129 : i32
      %add3A_131 = arith.constant 32 : i32
      %add3A_132 = arith.addi %mul3A_130, %add3A_131 : i32
      %swap3A_133 = arith.index_cast %add3A_132 : i32 to index
      %swap3A_134 = tpu.vector_load %arg11[%swap3A_133] {strides = array<i32>} : memref<49152xf32, #tpu.memory_space<vmem>>, vector<16xf32>,
      tpu.vector_store %arg11[%swap3A_133], %get3A_128 {strides = array<i32>} : memref<49152xf32, #tpu.memory_space<vmem>>, vector<16xf32>,
      %get3A_135 = arith.index_cast %scan3A_107 : i32 to index
      %get3A_136 = arith.constant 48 : index
      %get3A_137 = tpu.vector_load %arg10[%get3A_135, %get3A_136] {strides = array<i32>} : memref<512x64xf32, #tpu.memory_space<vmem>>, vector<16xf32>,
      %mul3A_138 = arith.constant 96 : i32
      %mul3A_139 = arith.muli %scan3A_107, %mul3A_138 : i32
      %add3A_140 = arith.constant 48 : i32
      %add3A_141 = arith.addi %mul3A_139, %add3A_140 : i32
      %swap3A_142 = arith.index_cast %add3A_141 : i32 to index
      %swap3A_143 = tpu.vector_load %arg11[%swap3A_142] {strides = array<i32>} : memref<49152xf32, #tpu.memory_space<vmem>>, vector<16xf32>,
      tpu.vector_store %arg11[%swap3A_142], %get3A_137 {strides = array<i32>} : memref<49152xf32, #tpu.memory_space<vmem>>, vector<16xf32>,
      %scan3A_144 = arith.constant 0 : i32
      %scan3A_145 = arith.constant 3 : i32
      %scan3A_146 = arith.addi %scan3A_30, %scan3A_145 : i32
      %get3A_147 = arith.index_cast %scan3A_146 : i32 to index
      %get3A_148 = arith.constant 0 : index
      %get3A_149 = tpu.vector_load %arg10[%get3A_147, %get3A_148] {strides = array<i32>} : memref<512x64xf32, #tpu.memory_space<vmem>>, vector<16xf32>,
      %mul3A_150 = arith.constant 96 : i32
      %mul3A_151 = arith.muli %scan3A_146, %mul3A_150 : i32
      %add3A_152 = arith.constant 0 : i32
      %add3A_153 = arith.addi %mul3A_151, %add3A_152 : i32
      %swap3A_154 = arith.index_cast %add3A_153 : i32 to index
      %swap3A_155 = tpu.vector_load %arg11[%swap3A_154] {strides = array<i32>} : memref<49152xf32, #tpu.memory_space<vmem>>, vector<16xf32>,
      tpu.vector_store %arg11[%swap3A_154], %get3A_149 {strides = array<i32>} : memref<49152xf32, #tpu.memory_space<vmem>>, vector<16xf32>,
      %get3A_156 = arith.index_cast %scan3A_146 : i32 to index
      %get3A_157 = arith.constant 16 : index
      %get3A_158 = tpu.vector_load %arg10[%get3A_156, %get3A_157] {strides = array<i32>} : memref<512x64xf32, #tpu.memory_space<vmem>>, vector<16xf32>,
      %mul3A_159 = arith.constant 96 : i32
      %mul3A_160 = arith.muli %scan3A_146, %mul3A_159 : i32
      %add3A_161 = arith.constant 16 : i32
      %add3A_162 = arith.addi %mul3A_160, %add3A_161 : i32
      %swap3A_163 = arith.index_cast %add3A_162 : i32 to index
      %swap3A_164 = tpu.vector_load %arg11[%swap3A_163] {strides = array<i32>} : memref<49152xf32, #tpu.memory_space<vmem>>, vector<16xf32>,
      tpu.vector_store %arg11[%swap3A_163], %get3A_158 {strides = array<i32>} : memref<49152xf32, #tpu.memory_space<vmem>>, vector<16xf32>,
      %get3A_165 = arith.index_cast %scan3A_146 : i32 to index
      %get3A_166 = arith.constant 32 : index
      %get3A_167 = tpu.vector_load %arg10[%get3A_165, %get3A_166] {strides = array<i32>} : memref<512x64xf32, #tpu.memory_space<vmem>>, vector<16xf32>,
      %mul3A_168 = arith.constant 96 : i32
      %mul3A_169 = arith.muli %scan3A_146, %mul3A_168 : i32
      %add3A_170 = arith.constant 32 : i32
      %add3A_171 = arith.addi %mul3A_169, %add3A_170 : i32
      %swap3A_172 = arith.index_cast %add3A_171 : i32 to index
      %swap3A_173 = tpu.vector_load %arg11[%swap3A_172] {strides = array<i32>} : memref<49152xf32, #tpu.memory_space<vmem>>, vector<16xf32>,
      tpu.vector_store %arg11[%swap3A_172], %get3A_167 {strides = array<i32>} : memref<49152xf32, #tpu.memory_space<vmem>>, vector<16xf32>,
      %get3A_174 = arith.index_cast %scan3A_146 : i32 to index
      %get3A_175 = arith.constant 48 : index
      %get3A_176 = tpu.vector_load %arg10[%get3A_174, %get3A_175] {strides = array<i32>} : memref<512x64xf32, #tpu.memory_space<vmem>>, vector<16xf32>,
      %mul3A_177 = arith.constant 96 : i32
      %mul3A_178 = arith.muli %scan3A_146, %mul3A_177 : i32
      %add3A_179 = arith.constant 48 : i32
      %add3A_180 = arith.addi %mul3A_178, %add3A_179 : i32
      %swap3A_181 = arith.index_cast %add3A_180 : i32 to index
      %swap3A_182 = tpu.vector_load %arg11[%swap3A_181] {strides = array<i32>} : memref<49152xf32, #tpu.memory_space<vmem>>, vector<16xf32>,
      tpu.vector_store %arg11[%swap3A_181], %get3A_176 {strides = array<i32>} : memref<49152xf32, #tpu.memory_space<vmem>>, vector<16xf32>,
      %scan3A_183 = arith.constant 0 : i32
      scf.yield %scan3A_183 : i32
    }
    %scan3A_20 = arith.constant 512 : i32
    %scan3A_21 = arith.constant 0 : i32
    %scan3A_22 = arith.constant 0 : i32
    %scan3A_23 = arith.constant 32 : i32
    %scan3A_24 = arith.addi %scan3A_22, %scan3A_23 : i32
    %scan3A_25 = arith.constant 1 : i32
    %scan3A_26 = scf.for %scan3A_30 = %scan3A_22 to %scan3A_24 step %scan3A_25 iter_args(%scan3A_31 = %scan3A_21) -> (i32)  : i32 {
      %mul3A_32 = arith.constant 16 : i32
      %mul3A_33 = arith.muli %scan3A_30, %mul3A_32 : i32
      %get3A = arith.index_cast %mul3A_33 : i32 to index
      %get3A_34 = tpu.vector_load %arg7[%get3A] {strides = array<i32>} : memref<512xi32, #tpu.memory_space<vmem>>, vector<16xi32>,
      %shift_right_arithmetic3A = arith.constant 20 : i32
      %shift_right_arithmetic3A_35 = vector.broadcast %shift_right_arithmetic3A : i32 to vector<16xi32>
      %shift_right_arithmetic3A_36 = arith.shrsi %get3A_34, %shift_right_arithmetic3A_35 : vector<16xi32>
      %and3A = arith.constant 31 : i32
      %and3A_37 = vector.broadcast %and3A : i32 to vector<16xi32>
      %and3A_38 = arith.andi %shift_right_arithmetic3A_36, %and3A_37 : vector<16xi32>
      %mul3A_39 = arith.constant 16 : i32
      %mul3A_40 = vector.broadcast %mul3A_39 : i32 to vector<16xi32>
      %mul3A_41 = arith.muli %and3A_38, %mul3A_40 : vector<16xi32>
      %shift_right_arithmetic3A_42 = arith.constant 25 : i32
      %shift_right_arithmetic3A_43 = vector.broadcast %shift_right_arithmetic3A_42 : i32 to vector<16xi32>
      %shift_right_arithmetic3A_44 = arith.shrsi %get3A_34, %shift_right_arithmetic3A_43 : vector<16xi32>
      %and3A_45 = arith.constant 7 : i32
      %and3A_46 = vector.broadcast %and3A_45 : i32 to vector<16xi32>
      %and3A_47 = arith.andi %shift_right_arithmetic3A_44, %and3A_46 : vector<16xi32>
      %mul3A_48 = arith.constant 16 : i32
      %mul3A_49 = vector.broadcast %mul3A_48 : i32 to vector<16xi32>
      %mul3A_50 = arith.muli %and3A_47, %mul3A_49 : vector<16xi32>
      %add3A_51 = vector.broadcast %mul3A_33 : i32 to vector<16xi32>
      %add3A_52 = arith.addi %add3A_51, %iota3A : vector<16xi32>
      %mul3A_53 = arith.constant 96 : i32
      %mul3A_54 = vector.broadcast %mul3A_53 : i32 to vector<16xi32>
      %mul3A_55 = arith.muli %add3A_52, %mul3A_54 : vector<16xi32>
      %add3A_56 = arith.constant 0 : i32
      %add3A_57 = vector.broadcast %add3A_56 : i32 to vector<16xi32>
      %add3A_58 = arith.addi %mul3A_41, %add3A_57 : vector<16xi32>
      %gather3A = tpu.vector_load_idx %arg8[%add3A_58] : memref<384xf32, #tpu.memory_space<vmem>>[vector<16xi32>], vector<16xf32>,
      %add3A_59 = arith.constant 64 : i32
      %add3A_60 = vector.broadcast %add3A_59 : i32 to vector<16xi32>
      %add3A_61 = arith.addi %mul3A_55, %add3A_60 : vector<16xi32>
      tpu.vector_store_idx %arg11[%add3A_61], %gather3A : memref<49152xf32, #tpu.memory_space<vmem>>[vector<16xi32>], vector<16xf32>,
      %add3A_62 = arith.constant 0 : i32
      %add3A_63 = vector.broadcast %add3A_62 : i32 to vector<16xi32>
      %add3A_64 = arith.addi %mul3A_50, %add3A_63 : vector<16xi32>
      %gather3A_65 = tpu.vector_load_idx %arg9[%add3A_64] : memref<112xf32, #tpu.memory_space<vmem>>[vector<16xi32>], vector<16xf32>,
      %add3A_66 = arith.constant 80 : i32
      %add3A_67 = vector.broadcast %add3A_66 : i32 to vector<16xi32>
      %add3A_68 = arith.addi %mul3A_55, %add3A_67 : vector<16xi32>
      tpu.vector_store_idx %arg11[%add3A_68], %gather3A_65 : memref<49152xf32, #tpu.memory_space<vmem>>[vector<16xi32>], vector<16xf32>,
      %add3A_69 = arith.constant 1 : i32
      %add3A_70 = vector.broadcast %add3A_69 : i32 to vector<16xi32>
      %add3A_71 = arith.addi %mul3A_41, %add3A_70 : vector<16xi32>
      %gather3A_72 = tpu.vector_load_idx %arg8[%add3A_71] : memref<384xf32, #tpu.memory_space<vmem>>[vector<16xi32>], vector<16xf32>,
      %add3A_73 = arith.constant 65 : i32
      %add3A_74 = vector.broadcast %add3A_73 : i32 to vector<16xi32>
      %add3A_75 = arith.addi %mul3A_55, %add3A_74 : vector<16xi32>
      tpu.vector_store_idx %arg11[%add3A_75], %gather3A_72 : memref<49152xf32, #tpu.memory_space<vmem>>[vector<16xi32>], vector<16xf32>,
      %add3A_76 = arith.constant 1 : i32
      %add3A_77 = vector.broadcast %add3A_76 : i32 to vector<16xi32>
      %add3A_78 = arith.addi %mul3A_50, %add3A_77 : vector<16xi32>
      %gather3A_79 = tpu.vector_load_idx %arg9[%add3A_78] : memref<112xf32, #tpu.memory_space<vmem>>[vector<16xi32>], vector<16xf32>,
      %add3A_80 = arith.constant 81 : i32
      %add3A_81 = vector.broadcast %add3A_80 : i32 to vector<16xi32>
      %add3A_82 = arith.addi %mul3A_55, %add3A_81 : vector<16xi32>
      tpu.vector_store_idx %arg11[%add3A_82], %gather3A_79 : memref<49152xf32, #tpu.memory_space<vmem>>[vector<16xi32>], vector<16xf32>,
      %add3A_83 = arith.constant 2 : i32
      %add3A_84 = vector.broadcast %add3A_83 : i32 to vector<16xi32>
      %add3A_85 = arith.addi %mul3A_41, %add3A_84 : vector<16xi32>
      %gather3A_86 = tpu.vector_load_idx %arg8[%add3A_85] : memref<384xf32, #tpu.memory_space<vmem>>[vector<16xi32>], vector<16xf32>,
      %add3A_87 = arith.constant 66 : i32
      %add3A_88 = vector.broadcast %add3A_87 : i32 to vector<16xi32>
      %add3A_89 = arith.addi %mul3A_55, %add3A_88 : vector<16xi32>
      tpu.vector_store_idx %arg11[%add3A_89], %gather3A_86 : memref<49152xf32, #tpu.memory_space<vmem>>[vector<16xi32>], vector<16xf32>,
      %add3A_90 = arith.constant 2 : i32
      %add3A_91 = vector.broadcast %add3A_90 : i32 to vector<16xi32>
      %add3A_92 = arith.addi %mul3A_50, %add3A_91 : vector<16xi32>
      %gather3A_93 = tpu.vector_load_idx %arg9[%add3A_92] : memref<112xf32, #tpu.memory_space<vmem>>[vector<16xi32>], vector<16xf32>,
      %add3A_94 = arith.constant 82 : i32
      %add3A_95 = vector.broadcast %add3A_94 : i32 to vector<16xi32>
      %add3A_96 = arith.addi %mul3A_55, %add3A_95 : vector<16xi32>
      tpu.vector_store_idx %arg11[%add3A_96], %gather3A_93 : memref<49152xf32, #tpu.memory_space<vmem>>[vector<16xi32>], vector<16xf32>,
      %add3A_97 = arith.constant 3 : i32
      %add3A_98 = vector.broadcast %add3A_97 : i32 to vector<16xi32>
      %add3A_99 = arith.addi %mul3A_41, %add3A_98 : vector<16xi32>
      %gather3A_100 = tpu.vector_load_idx %arg8[%add3A_99] : memref<384xf32, #tpu.memory_space<vmem>>[vector<16xi32>], vector<16xf32>,
      %add3A_101 = arith.constant 67 : i32
      %add3A_102 = vector.broadcast %add3A_101 : i32 to vector<16xi32>
      %add3A_103 = arith.addi %mul3A_55, %add3A_102 : vector<16xi32>
      tpu.vector_store_idx %arg11[%add3A_103], %gather3A_100 : memref<49152xf32, #tpu.memory_space<vmem>>[vector<16xi32>], vector<16xf32>,
      %add3A_104 = arith.constant 3 : i32
      %add3A_105 = vector.broadcast %add3A_104 : i32 to vector<16xi32>
      %add3A_106 = arith.addi %mul3A_50, %add3A_105 : vector<16xi32>
      %gather3A_107 = tpu.vector_load_idx %arg9[%add3A_106] : memref<112xf32, #tpu.memory_space<vmem>>[vector<16xi32>], vector<16xf32>,
      %add3A_108 = arith.constant 83 : i32
      %add3A_109 = vector.broadcast %add3A_108 : i32 to vector<16xi32>
      %add3A_110 = arith.addi %mul3A_55, %add3A_109 : vector<16xi32>
      tpu.vector_store_idx %arg11[%add3A_110], %gather3A_107 : memref<49152xf32, #tpu.memory_space<vmem>>[vector<16xi32>], vector<16xf32>,
      %add3A_111 = arith.constant 4 : i32
      %add3A_112 = vector.broadcast %add3A_111 : i32 to vector<16xi32>
      %add3A_113 = arith.addi %mul3A_41, %add3A_112 : vector<16xi32>
      %gather3A_114 = tpu.vector_load_idx %arg8[%add3A_113] : memref<384xf32, #tpu.memory_space<vmem>>[vector<16xi32>], vector<16xf32>,
      %add3A_115 = arith.constant 68 : i32
      %add3A_116 = vector.broadcast %add3A_115 : i32 to vector<16xi32>
      %add3A_117 = arith.addi %mul3A_55, %add3A_116 : vector<16xi32>
      tpu.vector_store_idx %arg11[%add3A_117], %gather3A_114 : memref<49152xf32, #tpu.memory_space<vmem>>[vector<16xi32>], vector<16xf32>,
      %add3A_118 = arith.constant 4 : i32
      %add3A_119 = vector.broadcast %add3A_118 : i32 to vector<16xi32>
      %add3A_120 = arith.addi %mul3A_50, %add3A_119 : vector<16xi32>
      %gather3A_121 = tpu.vector_load_idx %arg9[%add3A_120] : memref<112xf32, #tpu.memory_space<vmem>>[vector<16xi32>], vector<16xf32>,
      %add3A_122 = arith.constant 84 : i32
      %add3A_123 = vector.broadcast %add3A_122 : i32 to vector<16xi32>
      %add3A_124 = arith.addi %mul3A_55, %add3A_123 : vector<16xi32>
      tpu.vector_store_idx %arg11[%add3A_124], %gather3A_121 : memref<49152xf32, #tpu.memory_space<vmem>>[vector<16xi32>], vector<16xf32>,
      %add3A_125 = arith.constant 5 : i32
      %add3A_126 = vector.broadcast %add3A_125 : i32 to vector<16xi32>
      %add3A_127 = arith.addi %mul3A_41, %add3A_126 : vector<16xi32>
      %gather3A_128 = tpu.vector_load_idx %arg8[%add3A_127] : memref<384xf32, #tpu.memory_space<vmem>>[vector<16xi32>], vector<16xf32>,
      %add3A_129 = arith.constant 69 : i32
      %add3A_130 = vector.broadcast %add3A_129 : i32 to vector<16xi32>
      %add3A_131 = arith.addi %mul3A_55, %add3A_130 : vector<16xi32>
      tpu.vector_store_idx %arg11[%add3A_131], %gather3A_128 : memref<49152xf32, #tpu.memory_space<vmem>>[vector<16xi32>], vector<16xf32>,
      %add3A_132 = arith.constant 5 : i32
      %add3A_133 = vector.broadcast %add3A_132 : i32 to vector<16xi32>
      %add3A_134 = arith.addi %mul3A_50, %add3A_133 : vector<16xi32>
      %gather3A_135 = tpu.vector_load_idx %arg9[%add3A_134] : memref<112xf32, #tpu.memory_space<vmem>>[vector<16xi32>], vector<16xf32>,
      %add3A_136 = arith.constant 85 : i32
      %add3A_137 = vector.broadcast %add3A_136 : i32 to vector<16xi32>
      %add3A_138 = arith.addi %mul3A_55, %add3A_137 : vector<16xi32>
      tpu.vector_store_idx %arg11[%add3A_138], %gather3A_135 : memref<49152xf32, #tpu.memory_space<vmem>>[vector<16xi32>], vector<16xf32>,
      %add3A_139 = arith.constant 6 : i32
      %add3A_140 = vector.broadcast %add3A_139 : i32 to vector<16xi32>
      %add3A_141 = arith.addi %mul3A_41, %add3A_140 : vector<16xi32>
      %gather3A_142 = tpu.vector_load_idx %arg8[%add3A_141] : memref<384xf32, #tpu.memory_space<vmem>>[vector<16xi32>], vector<16xf32>,
      %add3A_143 = arith.constant 70 : i32
      %add3A_144 = vector.broadcast %add3A_143 : i32 to vector<16xi32>
      %add3A_145 = arith.addi %mul3A_55, %add3A_144 : vector<16xi32>
      tpu.vector_store_idx %arg11[%add3A_145], %gather3A_142 : memref<49152xf32, #tpu.memory_space<vmem>>[vector<16xi32>], vector<16xf32>,
      %add3A_146 = arith.constant 6 : i32
      %add3A_147 = vector.broadcast %add3A_146 : i32 to vector<16xi32>
      %add3A_148 = arith.addi %mul3A_50, %add3A_147 : vector<16xi32>
      %gather3A_149 = tpu.vector_load_idx %arg9[%add3A_148] : memref<112xf32, #tpu.memory_space<vmem>>[vector<16xi32>], vector<16xf32>,
      %add3A_150 = arith.constant 86 : i32
      %add3A_151 = vector.broadcast %add3A_150 : i32 to vector<16xi32>
      %add3A_152 = arith.addi %mul3A_55, %add3A_151 : vector<16xi32>
      tpu.vector_store_idx %arg11[%add3A_152], %gather3A_149 : memref<49152xf32, #tpu.memory_space<vmem>>[vector<16xi32>], vector<16xf32>,
      %add3A_153 = arith.constant 7 : i32
      %add3A_154 = vector.broadcast %add3A_153 : i32 to vector<16xi32>
      %add3A_155 = arith.addi %mul3A_41, %add3A_154 : vector<16xi32>
      %gather3A_156 = tpu.vector_load_idx %arg8[%add3A_155] : memref<384xf32, #tpu.memory_space<vmem>>[vector<16xi32>], vector<16xf32>,
      %add3A_157 = arith.constant 71 : i32
      %add3A_158 = vector.broadcast %add3A_157 : i32 to vector<16xi32>
      %add3A_159 = arith.addi %mul3A_55, %add3A_158 : vector<16xi32>
      tpu.vector_store_idx %arg11[%add3A_159], %gather3A_156 : memref<49152xf32, #tpu.memory_space<vmem>>[vector<16xi32>], vector<16xf32>,
      %add3A_160 = arith.constant 7 : i32
      %add3A_161 = vector.broadcast %add3A_160 : i32 to vector<16xi32>
      %add3A_162 = arith.addi %mul3A_50, %add3A_161 : vector<16xi32>
      %gather3A_163 = tpu.vector_load_idx %arg9[%add3A_162] : memref<112xf32, #tpu.memory_space<vmem>>[vector<16xi32>], vector<16xf32>,
      %add3A_164 = arith.constant 87 : i32
      %add3A_165 = vector.broadcast %add3A_164 : i32 to vector<16xi32>
      %add3A_166 = arith.addi %mul3A_55, %add3A_165 : vector<16xi32>
      tpu.vector_store_idx %arg11[%add3A_166], %gather3A_163 : memref<49152xf32, #tpu.memory_space<vmem>>[vector<16xi32>], vector<16xf32>,
      %add3A_167 = arith.constant 8 : i32
      %add3A_168 = vector.broadcast %add3A_167 : i32 to vector<16xi32>
      %add3A_169 = arith.addi %mul3A_41, %add3A_168 : vector<16xi32>
      %gather3A_170 = tpu.vector_load_idx %arg8[%add3A_169] : memref<384xf32, #tpu.memory_space<vmem>>[vector<16xi32>], vector<16xf32>,
      %add3A_171 = arith.constant 72 : i32
      %add3A_172 = vector.broadcast %add3A_171 : i32 to vector<16xi32>
      %add3A_173 = arith.addi %mul3A_55, %add3A_172 : vector<16xi32>
      tpu.vector_store_idx %arg11[%add3A_173], %gather3A_170 : memref<49152xf32, #tpu.memory_space<vmem>>[vector<16xi32>], vector<16xf32>,
      %add3A_174 = arith.constant 8 : i32
      %add3A_175 = vector.broadcast %add3A_174 : i32 to vector<16xi32>
      %add3A_176 = arith.addi %mul3A_50, %add3A_175 : vector<16xi32>
      %gather3A_177 = tpu.vector_load_idx %arg9[%add3A_176] : memref<112xf32, #tpu.memory_space<vmem>>[vector<16xi32>], vector<16xf32>,
      %add3A_178 = arith.constant 88 : i32
      %add3A_179 = vector.broadcast %add3A_178 : i32 to vector<16xi32>
      %add3A_180 = arith.addi %mul3A_55, %add3A_179 : vector<16xi32>
      tpu.vector_store_idx %arg11[%add3A_180], %gather3A_177 : memref<49152xf32, #tpu.memory_space<vmem>>[vector<16xi32>], vector<16xf32>,
      %add3A_181 = arith.constant 9 : i32
      %add3A_182 = vector.broadcast %add3A_181 : i32 to vector<16xi32>
      %add3A_183 = arith.addi %mul3A_41, %add3A_182 : vector<16xi32>
      %gather3A_184 = tpu.vector_load_idx %arg8[%add3A_183] : memref<384xf32, #tpu.memory_space<vmem>>[vector<16xi32>], vector<16xf32>,
      %add3A_185 = arith.constant 73 : i32
      %add3A_186 = vector.broadcast %add3A_185 : i32 to vector<16xi32>
      %add3A_187 = arith.addi %mul3A_55, %add3A_186 : vector<16xi32>
      tpu.vector_store_idx %arg11[%add3A_187], %gather3A_184 : memref<49152xf32, #tpu.memory_space<vmem>>[vector<16xi32>], vector<16xf32>,
      %add3A_188 = arith.constant 9 : i32
      %add3A_189 = vector.broadcast %add3A_188 : i32 to vector<16xi32>
      %add3A_190 = arith.addi %mul3A_50, %add3A_189 : vector<16xi32>
      %gather3A_191 = tpu.vector_load_idx %arg9[%add3A_190] : memref<112xf32, #tpu.memory_space<vmem>>[vector<16xi32>], vector<16xf32>,
      %add3A_192 = arith.constant 89 : i32
      %add3A_193 = vector.broadcast %add3A_192 : i32 to vector<16xi32>
      %add3A_194 = arith.addi %mul3A_55, %add3A_193 : vector<16xi32>
      tpu.vector_store_idx %arg11[%add3A_194], %gather3A_191 : memref<49152xf32, #tpu.memory_space<vmem>>[vector<16xi32>], vector<16xf32>,
      %add3A_195 = arith.constant 10 : i32
      %add3A_196 = vector.broadcast %add3A_195 : i32 to vector<16xi32>
      %add3A_197 = arith.addi %mul3A_41, %add3A_196 : vector<16xi32>
      %gather3A_198 = tpu.vector_load_idx %arg8[%add3A_197] : memref<384xf32, #tpu.memory_space<vmem>>[vector<16xi32>], vector<16xf32>,
      %add3A_199 = arith.constant 74 : i32
      %add3A_200 = vector.broadcast %add3A_199 : i32 to vector<16xi32>
      %add3A_201 = arith.addi %mul3A_55, %add3A_200 : vector<16xi32>
      tpu.vector_store_idx %arg11[%add3A_201], %gather3A_198 : memref<49152xf32, #tpu.memory_space<vmem>>[vector<16xi32>], vector<16xf32>,
      %add3A_202 = arith.constant 10 : i32
      %add3A_203 = vector.broadcast %add3A_202 : i32 to vector<16xi32>
      %add3A_204 = arith.addi %mul3A_50, %add3A_203 : vector<16xi32>
      %gather3A_205 = tpu.vector_load_idx %arg9[%add3A_204] : memref<112xf32, #tpu.memory_space<vmem>>[vector<16xi32>], vector<16xf32>,
      %add3A_206 = arith.constant 90 : i32
      %add3A_207 = vector.broadcast %add3A_206 : i32 to vector<16xi32>
      %add3A_208 = arith.addi %mul3A_55, %add3A_207 : vector<16xi32>
      tpu.vector_store_idx %arg11[%add3A_208], %gather3A_205 : memref<49152xf32, #tpu.memory_space<vmem>>[vector<16xi32>], vector<16xf32>,
      %add3A_209 = arith.constant 11 : i32
      %add3A_210 = vector.broadcast %add3A_209 : i32 to vector<16xi32>
      %add3A_211 = arith.addi %mul3A_41, %add3A_210 : vector<16xi32>
      %gather3A_212 = tpu.vector_load_idx %arg8[%add3A_211] : memref<384xf32, #tpu.memory_space<vmem>>[vector<16xi32>], vector<16xf32>,
      %add3A_213 = arith.constant 75 : i32
      %add3A_214 = vector.broadcast %add3A_213 : i32 to vector<16xi32>
      %add3A_215 = arith.addi %mul3A_55, %add3A_214 : vector<16xi32>
      tpu.vector_store_idx %arg11[%add3A_215], %gather3A_212 : memref<49152xf32, #tpu.memory_space<vmem>>[vector<16xi32>], vector<16xf32>,
      %add3A_216 = arith.constant 11 : i32
      %add3A_217 = vector.broadcast %add3A_216 : i32 to vector<16xi32>
      %add3A_218 = arith.addi %mul3A_50, %add3A_217 : vector<16xi32>
      %gather3A_219 = tpu.vector_load_idx %arg9[%add3A_218] : memref<112xf32, #tpu.memory_space<vmem>>[vector<16xi32>], vector<16xf32>,
      %add3A_220 = arith.constant 91 : i32
      %add3A_221 = vector.broadcast %add3A_220 : i32 to vector<16xi32>
      %add3A_222 = arith.addi %mul3A_55, %add3A_221 : vector<16xi32>
      tpu.vector_store_idx %arg11[%add3A_222], %gather3A_219 : memref<49152xf32, #tpu.memory_space<vmem>>[vector<16xi32>], vector<16xf32>,
      %add3A_223 = arith.constant 12 : i32
      %add3A_224 = vector.broadcast %add3A_223 : i32 to vector<16xi32>
      %add3A_225 = arith.addi %mul3A_41, %add3A_224 : vector<16xi32>
      %gather3A_226 = tpu.vector_load_idx %arg8[%add3A_225] : memref<384xf32, #tpu.memory_space<vmem>>[vector<16xi32>], vector<16xf32>,
      %add3A_227 = arith.constant 76 : i32
      %add3A_228 = vector.broadcast %add3A_227 : i32 to vector<16xi32>
      %add3A_229 = arith.addi %mul3A_55, %add3A_228 : vector<16xi32>
      tpu.vector_store_idx %arg11[%add3A_229], %gather3A_226 : memref<49152xf32, #tpu.memory_space<vmem>>[vector<16xi32>], vector<16xf32>,
      %add3A_230 = arith.constant 12 : i32
      %add3A_231 = vector.broadcast %add3A_230 : i32 to vector<16xi32>
      %add3A_232 = arith.addi %mul3A_50, %add3A_231 : vector<16xi32>
      %gather3A_233 = tpu.vector_load_idx %arg9[%add3A_232] : memref<112xf32, #tpu.memory_space<vmem>>[vector<16xi32>], vector<16xf32>,
      %add3A_234 = arith.constant 92 : i32
      %add3A_235 = vector.broadcast %add3A_234 : i32 to vector<16xi32>
      %add3A_236 = arith.addi %mul3A_55, %add3A_235 : vector<16xi32>
      tpu.vector_store_idx %arg11[%add3A_236], %gather3A_233 : memref<49152xf32, #tpu.memory_space<vmem>>[vector<16xi32>], vector<16xf32>,
      %add3A_237 = arith.constant 13 : i32
      %add3A_238 = vector.broadcast %add3A_237 : i32 to vector<16xi32>
      %add3A_239 = arith.addi %mul3A_41, %add3A_238 : vector<16xi32>
      %gather3A_240 = tpu.vector_load_idx %arg8[%add3A_239] : memref<384xf32, #tpu.memory_space<vmem>>[vector<16xi32>], vector<16xf32>,
      %add3A_241 = arith.constant 77 : i32
      %add3A_242 = vector.broadcast %add3A_241 : i32 to vector<16xi32>
      %add3A_243 = arith.addi %mul3A_55, %add3A_242 : vector<16xi32>
      tpu.vector_store_idx %arg11[%add3A_243], %gather3A_240 : memref<49152xf32, #tpu.memory_space<vmem>>[vector<16xi32>], vector<16xf32>,
      %add3A_244 = arith.constant 13 : i32
      %add3A_245 = vector.broadcast %add3A_244 : i32 to vector<16xi32>
      %add3A_246 = arith.addi %mul3A_50, %add3A_245 : vector<16xi32>
      %gather3A_247 = tpu.vector_load_idx %arg9[%add3A_246] : memref<112xf32, #tpu.memory_space<vmem>>[vector<16xi32>], vector<16xf32>,
      %add3A_248 = arith.constant 93 : i32
      %add3A_249 = vector.broadcast %add3A_248 : i32 to vector<16xi32>
      %add3A_250 = arith.addi %mul3A_55, %add3A_249 : vector<16xi32>
      tpu.vector_store_idx %arg11[%add3A_250], %gather3A_247 : memref<49152xf32, #tpu.memory_space<vmem>>[vector<16xi32>], vector<16xf32>,
      %add3A_251 = arith.constant 14 : i32
      %add3A_252 = vector.broadcast %add3A_251 : i32 to vector<16xi32>
      %add3A_253 = arith.addi %mul3A_41, %add3A_252 : vector<16xi32>
      %gather3A_254 = tpu.vector_load_idx %arg8[%add3A_253] : memref<384xf32, #tpu.memory_space<vmem>>[vector<16xi32>], vector<16xf32>,
      %add3A_255 = arith.constant 78 : i32
      %add3A_256 = vector.broadcast %add3A_255 : i32 to vector<16xi32>
      %add3A_257 = arith.addi %mul3A_55, %add3A_256 : vector<16xi32>
      tpu.vector_store_idx %arg11[%add3A_257], %gather3A_254 : memref<49152xf32, #tpu.memory_space<vmem>>[vector<16xi32>], vector<16xf32>,
      %add3A_258 = arith.constant 14 : i32
      %add3A_259 = vector.broadcast %add3A_258 : i32 to vector<16xi32>
      %add3A_260 = arith.addi %mul3A_50, %add3A_259 : vector<16xi32>
      %gather3A_261 = tpu.vector_load_idx %arg9[%add3A_260] : memref<112xf32, #tpu.memory_space<vmem>>[vector<16xi32>], vector<16xf32>,
      %add3A_262 = arith.constant 94 : i32
      %add3A_263 = vector.broadcast %add3A_262 : i32 to vector<16xi32>
      %add3A_264 = arith.addi %mul3A_55, %add3A_263 : vector<16xi32>
      tpu.vector_store_idx %arg11[%add3A_264], %gather3A_261 : memref<49152xf32, #tpu.memory_space<vmem>>[vector<16xi32>], vector<16xf32>,
      %add3A_265 = arith.constant 15 : i32
      %add3A_266 = vector.broadcast %add3A_265 : i32 to vector<16xi32>
      %add3A_267 = arith.addi %mul3A_41, %add3A_266 : vector<16xi32>
      %gather3A_268 = tpu.vector_load_idx %arg8[%add3A_267] : memref<384xf32, #tpu.memory_space<vmem>>[vector<16xi32>], vector<16xf32>,
      %add3A_269 = arith.constant 79 : i32
      %add3A_270 = vector.broadcast %add3A_269 : i32 to vector<16xi32>
      %add3A_271 = arith.addi %mul3A_55, %add3A_270 : vector<16xi32>
      tpu.vector_store_idx %arg11[%add3A_271], %gather3A_268 : memref<49152xf32, #tpu.memory_space<vmem>>[vector<16xi32>], vector<16xf32>,
      %add3A_272 = arith.constant 15 : i32
      %add3A_273 = vector.broadcast %add3A_272 : i32 to vector<16xi32>
      %add3A_274 = arith.addi %mul3A_50, %add3A_273 : vector<16xi32>
      %gather3A_275 = tpu.vector_load_idx %arg9[%add3A_274] : memref<112xf32, #tpu.memory_space<vmem>>[vector<16xi32>], vector<16xf32>,
      %add3A_276 = arith.constant 95 : i32
      %add3A_277 = vector.broadcast %add3A_276 : i32 to vector<16xi32>
      %add3A_278 = arith.addi %mul3A_55, %add3A_277 : vector<16xi32>
      tpu.vector_store_idx %arg11[%add3A_278], %gather3A_275 : memref<49152xf32, #tpu.memory_space<vmem>>[vector<16xi32>], vector<16xf32>,
      %scan3A_279 = arith.constant 0 : i32
      scf.yield %scan3A_279 : i32
    }
    %scan3A_27 = arith.constant 32 : i32
    %mul3A_28 = arith.constant 96 : i32
    %mul3A_29 = arith.muli %mul3A_2, %mul3A_28 : i32
    "tpu.region"() ({
      %run_scoped3A = tpu.sem_alloc : memref<!tpu.dma_semaphore, #tpu.memory_space<semaphore_mem>>
      %dma_start3A = tpu.memref_slice %arg6[%mul3A_29] : memref<1572864xf32, #tpu.memory_space<hbm>> -> memref<49152xf32, #tpu.memory_space<hbm>>
      %dma_start3A_30 = tpu.memref_slice %arg6[%mul3A_29] : memref<1572864xf32, #tpu.memory_space<hbm>> -> memref<49152xf32, #tpu.memory_space<hbm>>
      tpu.enqueue_dma source(%arg11 : memref<49152xf32, #tpu.memory_space<vmem>>) target(%dma_start3A_30 : memref<49152xf32, #tpu.memory_space<hbm>>) target_semaphore(%run_scoped3A : memref<!tpu.dma_semaphore, #tpu.memory_space<semaphore_mem>>)
      %dma_wait3A_31 = tpu.memref_slice %arg6[%mul3A_29] : memref<1572864xf32, #tpu.memory_space<hbm>> -> memref<49152xf32, #tpu.memory_space<hbm>>
      %dma_wait3A_32 = tpu.memref_slice %arg6[%mul3A_29] : memref<1572864xf32, #tpu.memory_space<hbm>> -> memref<49152xf32, #tpu.memory_space<hbm>>
      tpu.wait_dma2 semaphore(%run_scoped3A : memref<!tpu.dma_semaphore, #tpu.memory_space<semaphore_mem>>) src(%arg11 : memref<49152xf32, #tpu.memory_space<vmem>>) dst(%dma_wait3A_32 : memref<49152xf32, #tpu.memory_space<hbm>>)
      tpu.yield
    }) : () -> ()
    return
  }
}

</mosaic_0001>

<sc_bundles>
// kernel: kernel.3.cloned.1.call-start
scs
__scs_entry_jumppad:
0x0: {  	(pc) =	sbr.rel $0x88, $3  }
0x1: {  	(tag) =	ssettag $0x0;
	lr =	simm.s32 $0x1  }
0x2: {  	[smem:$0x3F9B] =	sst lr;
	_ =	strace $0xD0000000  }
0x3: {  	_ = 	snop  }
0x4: {  	_ = 	snop  }
0x5: {  	_ = 	snop  }
0x6: {  	_ = 	snop  }
0x7: {  	_ = 	snop  }
__scs_overlays_trampoline_lowered:
0x8: {  	[smem:$0x3FAA] =	sst s0  }
0x9: {  	[smem:$0x3FAB] =	sst s1  }
0xa: {  	[smem:$0x3FAC] =	sst s2  }
0xb: {  	[smem:$0x3FAD] =	sst s3  }
0xc: {  	[smem:$0x3FAE] =	sst s4  }
0xd: {  	[smem:$0x3FAF] =	sst s5  }
0xe: {  	[smem:$0x3FB0] =	sst s6  }
0xf: {  	[smem:$0x3FB1] =	sst s7  }
0x10: {  	[smem:$0x3FB2] =	sst s8  }
0x11: {  	[smem:$0x3FB3] =	sst s9;
	s0 =	simm.s32 @!p0 $0x0  }
0x12: {  	s1 =	sld [smem:$0x3F99];
	s0 =	simm.s32 @p0 $0x1  }
0x13: {  	[smem:$0x3FB4] =	sst s0;
	s0 =	simm.s32 @!p1 $0x0  }
0x14: {  	s2 =	sld [smem:$0x3F98];
	s0 =	simm.s32 @p1 $0x1  }
0x15: {  	[smem:$0x3FB5] =	sst s0;
	s0 =	simm.s32 @!p2 $0x0  }
0x16: {  	s3 =	sld [smem:$0x3FDB];
	s0 =	simm.s32 @p2 $0x1  }
0x17: {  	s4 =	simm.s32 $0x1BF5;
	[smem:$0x3FB7] =	sst s0  }
0x18: {  	s0 =	sld [smem:$0x3F9A];
	_ =	swait.ge [sflag:s4], $0x0  }
0x19: {  	s7 =	sld [smem:$0x3F9B]  }
0x1a: {  	s8 =	sadd.s32 $0xFFFFE003, lr  }
0x1b: {  	s9 =	sadd.s32 $0xFFFFFEF7, lr;
	s5 =	simm.s32 $0xFFFFFFFF;
	p2 =	slt.u32 s8, $0xFFFFF086  }
0x1c: {  	p1 =	slt.u32 s9, $0xF7A;
	s5 =	simm.s32 @!p2 $0x0  }
0x1d: {  	s5 =	simm.s32 @p1 $0x1;
	p0 =	seq.s32 s7, s2  }
0x1e: {  	s7 =	smul.u32 @!p0 $0xF7A, s2;
	p2 =	seq.s32 @!p0 s5, $0x0  }
0x1f: {  	s9 =	smul.u32 $0xF7A, s1;
	s8 =	simm.s32 @!p0 $0x1BF5;
	p2 =	por !p2, p0  }
0x20: {  	[sflag:s8] =	ssyncset.s32 @!p0 $0xFFFFF086;
	s6 =	sadd.s32 @!p0 s3, s7;
	s7 =	simm.s32 @!p0 $0x108  }
0x21: {  	s3 =	sadd.s32 s3, s9;
	s6 =	sadd.s32 @!p0 $0x88, s6;
	s7 =	simm.s32 @p2 $0x1082  }
0x22: {  	[simem:s7], [sflag:s8] =	dma.local @!p0 [hbm:s6], $0xF7A  }
0x23: {  	s9 =	sor.u32 $0xD0000000, s2;
	s6 =	simm.s32 $0x108;
	_ =	swait.ge @!p0 [sflag:s8], $0x0  }
0x24: {  	s3 =	sadd.s32 $0x88, s3;
	s6 =	simm.s32 @!p1 $0x1082;
	[sflag:s4] =	ssyncset.s32 $0xFFFFF086  }
0x25: {  	[simem:s6], [sflag:s4] =	dma.local [hbm:s3], $0xF7A  }
0x26: {  	[smem:$0x3F9B] =	sst s1;
	(tag) =	ssettag s2;
	_ =	strace s9  }
0x27: {  	s1 =	sld [smem:$0x3FAB]  }
0x28: {  	s2 =	sld [smem:$0x3FAC]  }
0x29: {  	s4 =	sld [smem:$0x3FAE]  }
0x2a: {  	p0 =	seq.s32 s5, $0x0;
	s5 =	sld [smem:$0x3FAF]  }
0x2b: {  	s6 =	sld [smem:$0x3FB0]  }
0x2c: {  	s7 =	sld [smem:$0x3FB1]  }
0x2d: {  	s3 =	simm.s32 $0x108;
	s8 =	sld [smem:$0x3FB2]  }
0x2e: {  	s3 =	simm.s32 @!p0 $0x1082;
	s9 =	sld [smem:$0x3FB3]  }
0x2f: {  	lr =	sadd.s32 s0, s3;
	s0 =	sld [smem:$0x3FAA]  }
0x30: {  	s3 =	sld [smem:$0x3FAD]  }
0x31: {  	[smem:$0x3FB6] =	sst s10  }
0x32: {  	s10 =	sld [smem:$0x3FB4];
	_ =	sdelay $0x3  }
0x33: {  	p0 =	seq.s32 s10, $0x1;
	s10 =	sld [smem:$0x3FB6];
	_ =	sdelay $0x3  }
0x34: {  	[smem:$0x3FB6] =	sst s10  }
0x35: {  	s10 =	sld [smem:$0x3FB5];
	_ =	sdelay $0x3  }
0x36: {  	p1 =	seq.s32 s10, $0x1;
	s10 =	sld [smem:$0x3FB6];
	_ =	sdelay $0x3  }
0x37: {  	[smem:$0x3FB6] =	sst s10  }
0x38: {  	s10 =	sld [smem:$0x3FB7]  }
0x39: {  	_ = 	snop;
	(pc) =	sbr.ind lr, $3  }
0x3a: {  	_ = 	snop  }
0x3b: {  	_ = 	snop  }
0x3c: {  	p2 =	seq.s32 s10, $0x1;
	s10 =	sld [smem:$0x3FB6]  }
0x3d: {  	_ =	shalt  }
0x3e: {  	_ =	shalt  }
0x3f: {  	_ =	shalt  }
0x40: {  	_ =	shalt  }
0x41: {  	_ =	shalt  }
0x42: {  	_ =	shalt  }
0x43: {  	_ =	shalt  }
0x44: {  	_ =	shalt  }
0x45: {  	_ =	shalt  }
0x46: {  	_ =	shalt  }
0x47: {  	_ =	shalt  }
0x48: {  	_ =	shalt  }
0x49: {  	_ =	shalt  }
0x4a: {  	_ =	shalt  }
0x4b: {  	_ =	shalt  }
0x4c: {  	_ =	shalt  }
0x4d: {  	_ =	shalt  }
0x4e: {  	_ =	shalt  }
0x4f: {  	_ =	shalt  }
0x50: {  	_ =	shalt  }
0x51: {  	_ =	shalt  }
0x52: {  	_ =	shalt  }
0x53: {  	_ =	shalt  }
0x54: {  	_ =	shalt  }
0x55: {  	_ =	shalt  }
0x56: {  	_ =	shalt  }
0x57: {  	_ =	shalt  }
0x58: {  	_ =	shalt  }
0x59: {  	_ =	shalt  }
0x5a: {  	_ =	shalt  }
0x5b: {  	_ =	shalt  }
0x5c: {  	_ =	shalt  }
0x5d: {  	_ =	shalt  }
0x5e: {  	_ =	shalt  }
0x5f: {  	_ =	shalt  }
0x60: {  	_ =	shalt  }
0x61: {  	_ =	shalt  }
0x62: {  	_ =	shalt  }
0x63: {  	_ =	shalt  }
0x64: {  	_ =	shalt  }
0x65: {  	_ =	shalt  }
0x66: {  	_ =	shalt  }
0x67: {  	_ =	shalt  }
0x68: {  	_ =	shalt  }
0x69: {  	_ =	shalt  }
0x6a: {  	_ =	shalt  }
0x6b: {  	_ =	shalt  }
0x6c: {  	_ =	shalt  }
0x6d: {  	_ =	shalt  }
0x6e: {  	_ =	shalt  }
0x6f: {  	_ =	shalt  }
0x70: {  	_ =	shalt  }
0x71: {  	_ =	shalt  }
0x72: {  	_ =	shalt  }
0x73: {  	_ =	shalt  }
0x74: {  	_ =	shalt  }
0x75: {  	_ =	shalt  }
0x76: {  	_ =	shalt  }
0x77: {  	_ =	shalt  }
0x78: {  	_ =	shalt  }
0x79: {  	_ =	shalt  }
0x7a: {  	_ =	shalt  }
0x7b: {  	_ =	shalt  }
0x7c: {  	_ =	shalt  }
0x7d: {  	_ =	shalt  }
0x7e: {  	_ =	shalt  }
0x7f: {  	_ =	shalt  }
0x80: {  	_ =	shalt  }
0x81: {  	_ =	shalt  }
0x82: {  	_ =	shalt  }
0x83: {  	_ =	shalt  }
0x84: {  	_ =	shalt  }
0x85: {  	_ =	shalt  }
0x86: {  	_ =	shalt  }
0x87: {  	_ =	shalt  }
.Lfunc_end0:
.L_simem_size_0:
called_computation_lowered:
.L_overlay_start_0:
0x88: {  	s2 =	sld [smem:$0x3FD9]  }
0x89: {  	s3 =	sld [smem:$0x3FFE];
	_ =	sdelay $0x1  }
0x8a: {  	s1 =	srdreg.scid  }
0x8b: {  	s0 =	sand.u32 $0x1, s1  }
0x8c: {  	s17 =	sshll.u32 s0, $0xA;
	s2 =	sadd.s32 s3, s2  }
0x8d: {  	s2 =	sadd.s32 s2, s17  }
0x8e: {  	[smem:$0x3FC2] =	sst s2  }
0x8f: {  	_ = 	snop  }
0x90: {  	s2 =	sld [smem:$0x3FD0];
	(tm) =	ssettm $0x1  }
0x91: {  	s18 =	sld [smem:$0x3FFB];
	_ =	sdelay $0x3  }
0x92: {  	_ =	strace s18  }
0x93: {  	s3 =	sld [smem:$0x3FFC];
	_ =	sdelay $0x3  }
0x94: {  	_ =	strace s3  }
0x95: {  	s3 =	sld [smem:$0x3FFD];
	_ =	sdelay $0x3  }
0x96: {  	_ =	strace s3  }
0x97: {  	_ =	strace $0x8FFFFFFF  }
0x98: {  	s19 =	sld [smem:$0x3FDB];
	_ =	sdelay $0x1  }
0x99: {  	s4 =	simm.s32 $_scs_section_size  }
0x9a: {  	s5 =	simm.s32 $_size__tile_overlayer_lowered;
	s6 =	simm.s32 $_tile_overlayer_lowered  }
0x9b: {  	s22 =	simm.s32 $0x1BFF;
	s21 =	sshll.u32 s6, $0x1;
	s3 =	sadd.s32 s4, s19  }
0x9c: {  	s7 =	simm.s32 $0x0;
	s20 =	sshll.u32 s5, $0x1;
	s5 =	sadd.s32 s21, s3  }
0x9d: {  	[timem:s7], [sflag:s22] =	dma.local [hbm:s5], s20  }
0x9e: {  	_ =	swait.ge [sflag:s22], s20  }
0x9f: {  	s4 =	ssub.s32 $0x0, s20;
	[sflag:s22] =	ssyncset.done $0x0  }
0xa0: {  	[sflag:s22] =	ssyncadd.s32 s4;
	_ =	sdelay $0x1  }
0xa1: {  	s23 =	simm.s32 $0x1B8B  }
0xa2: {  	_ =	swait.ge [sflag:s23], $0x1  }
0xa3: {  	[sflag:s23] =	ssyncset.done $0x0  }
0xa4: {  	s25 =	simm.s32 $0x1B8E;
	s24 =	sld [smem:$0x3FFE];
	[sflag:s23] =	ssyncadd.s32 $0xFFFFFFFF  }
0xa5: {  	s26 =	simm.s32 $execute0_lowered;
	[smem:$0x3FD2] =	sst s25  }
0xa6: {  	s5 =	sshll.u32 s26, $0x1;
	_ =	strace $0x80000046;
	[dreg:$0x1] =	wrdreg $0xFFFFFFFF  }
0xa7: {  	s28 =	simm.s32 $_size_execute0_lowered;
	s3 =	sadd.s32 s3, s5;
	[dreg:$0x0] =	wrdreg $0x0  }
0xa8: {  	s5 =	sshll.u32 s28, $0x1;
	[dreg:$0x2] =	wrdreg s3  }
0xa9: {  	[dreg:$0x3] =	wrdreg s5  }
0xaa: {  	[dreg:$0x4] =	wrdreg $0xC0  }
0xab: {  	_ =	task [dreg:s7], $0x5FFFF  }
0xac: {  	[dreg:$0x1] =	wrdreg $0xFFFFFFFF  }
0xad: {  	[dreg:$0x0] =	wrdreg $0x60  }
0xae: {  	[dreg:$0x2] =	wrdreg s24  }
0xaf: {  	[dreg:$0x3] =	wrdreg s2  }
0xb0: {  	[dreg:$0x4] =	wrdreg $0x9  }
0xb1: {  	_ =	task.clear_ibuf [dreg:s7], $0x5FFFF;
	_ =	strace $0x90000046  }
0xb2: {  	s29 =	simm.s32 $0x9;
	_ =	strace $0x80000048  }
0xb3: {  	_ =	swait.ge [sflag:s29], $0x1  }
0xb4: {  	[sflag:s29] =	ssyncadd.s32 $0xFFFFFFFF  }
0xb5: {  	_ =	strace $0x90000048  }
0xb6: {  	_ =	sfence  }
0xb7: {  	s30 =	sld [smem:$0x0];
	_ =	sdelay $0x2  }
0xb8: {  	s31 =	sshll.u32 s1, $0xD;
	s1 =	sshrl.u32 s1, $0x2  }
0xb9: {  	s3 =	sand.u32 $0x4000, s31;
	s1 =	sadd.s32 s1, s30  }
0xba: {  	s0 =	sor.u32 s3, s0;
	s1 =	sshll.u32 s1, $0x11  }
0xbb: {  	s0 =	sor.u32 s1, s0  }
0xbc: {  	s0 =	sadd.s32 $0x8F2B, s0  }
0xbd: {  	[sflag:s0] =	ssyncadd.remote.s32 $0x1  }
0xbe: {  	_ =	sfence.sel $0xFFFF  }
0xbf: {  	[dreg:$0x0] =	wrdreg $0xFFFFFFFF;
	(pc) =	sbr.abs _section_cstart, $3  }
0xc0: {  	[dreg:$0x1] =	wrdreg $0xFFFFFFFF  }
0xc1: {  	_ =	task.clear_ibuf [dreg:s7], $0x2FFFF;
	_ =	strace $0x9FFFFFFF  }
0xc2: {  	(tm) =	ssettm $0x7FFFFFFF  }
0xc3: {  	_ =	shalt  }
tec
execute0_lowered:
.L_overlay_start_1:
0x0: {  	(tag) =	ssettag $0x1  }
0x1: {  	v1 =	vimm.s32 $0x60002040;
	v2 =	vimm.s32 $0x61012141  }
0x2: {  	v10 =	vunpack.c.0.s8.s32 v1;
	v1 =	vimm.s32 $0x70103050;
	v38 =	vunpack.c.0.s8.s32 v2  }
0x3: {  	v2 =	vimm.s32 $0x62022242;
	v37 =	vunpack.c.0.s8.s32 v1;
	v1 =	vimm.s32 $0x71113151  }
0x4: {  	v8 =	vunpack.c.0.s8.s32 v1;
	v1 =	vunpack.c.0.s8.s32 v2;
	_ =	sdelay $0x1  }
0x5: {  	v2 =	vimm.s32 $0x63032343;
	[tilespmem:$0x1FE00] =	vst v1;
	v1 =	vimm.s32 $0x72123252  }
0x6: {  	v31 =	vunpack.c.0.s8.s32 v2;
	v2 =	vimm.s32 $0x64042444;
	v1 =	vunpack.c.0.s8.s32 v1  }
0x7: {  	v33 =	vunpack.c.0.s8.s32 v2;
	v2 =	vimm.s32 $0x65052545  }
0x8: {  	v29 =	vunpack.c.0.s8.s32 v2;
	[tilespmem:$0x1FE10] =	vst v1;
	v1 =	vimm.s32 $0x73133353  }
0x9: {  	v2 =	vimm.s32 $0x66062646;
	v32 =	vunpack.c.0.s8.s32 v1;
	v1 =	vimm.s32 $0x74143454  }
0xa: {  	v27 =	vunpack.c.0.s8.s32 v2;
	v30 =	vunpack.c.0.s8.s32 v1;
	v1 =	vimm.s32 $0x75153555  }
0xb: {  	v2 =	vimm.s32 $0x67072747;
	v28 =	vunpack.c.0.s8.s32 v1;
	v1 =	vimm.s32 $0x76163656  }
0xc: {  	v26 =	vunpack.c.0.s8.s32 v1;
	v1 =	vunpack.c.0.s8.s32 v2;
	_ =	sdelay $0x1  }
0xd: {  	[tilespmem:$0x1FE20] =	vst v1;
	v1 =	vimm.s32 $0x77173757  }
0xe: {  	v0 =	vlaneseq.u32;
	s5 =	rddreg [dreg:$0x0];
	v1 =	vunpack.c.0.s8.s32 v1  }
0xf: {  	s7 =	rddreg [dreg:$0x1];
	s2 =	simm.s32 $0x0;
	v3 =	vmul.u32 $0x60, v0  }
0x10: {  	[smem:$0x7FF] =	sst s2;
	[tilespmem:$0x1FE30] =	vst v1  }
0x11: {  	s0 =	rddreg [dreg:$0x2];
	_ =	strace $0x80000047;
	[tilespmem:$0x1FE50] =	vst v3  }
0x12: {  	v9 =	vadd.s32 $0x40, v3;
	[tilespmem:$0x1FE60] =	vst v10  }
0x13: {  	v11 =	vadd.s32 $0x50, v3;
	[tilespmem:$0x1FE70] =	vst v9  }
0x14: {  	v12 =	vadd.s32 $0x41, v3;
	[tilespmem:$0x1FE80] =	vst v11  }
0x15: {  	v42 =	vadd.s32 $0x47, v3;
	[tilespmem:$0x1FE90] =	vst v12  }
0x16: {  	[tilespmem:$0x1FEA0] =	vst v42  }
0x17: {  	v44 =	vadd.s32 $0x58, v3;
	[tilespmem:$0x1FEB0] =	vst v37  }
0x18: {  	v36 =	vadd.s32 $0x57, v3;
	[tilespmem:$0x1FEC0] =	vst v44  }
0x19: {  	v39 =	vadd.s32 $0x4A, v3;
	[tilespmem:$0x1FED0] =	vst v36  }
0x1a: {  	v15 =	vadd.s32 $0x51, v3;
	[tilespmem:$0x1FEE0] =	vst v39  }
0x1b: {  	v60 =	vadd.s32 $0x42, v3;
	v62 =	vadd.s32 $0x52, v3;
	v63 =	vadd.s32 $0x5B, v3;
	[tilespmem:$0x1FEF0] =	vst v38  }
0x1c: {  	v58 =	vadd.s32 $0x43, v3;
	v19 =	vadd.s32 $0x53, v3;
	v34 =	vadd.s32 $0x5A, v3;
	[tilespmem:$0x1FF00] =	vst v63  }
0x1d: {  	v20 =	vadd.s32 $0x44, v3;
	v21 =	vadd.s32 $0x54, v3;
	v35 =	vadd.s32 $0x4B, v3;
	[tilespmem:$0x1FF10] =	vst v34  }
0x1e: {  	v22 =	vadd.s32 $0x45, v3;
	v23 =	vadd.s32 $0x55, v3;
	v40 =	vadd.s32 $0x59, v3;
	[tilespmem:$0x1FF30] =	vst v35  }
0x1f: {  	v24 =	vadd.s32 $0x46, v3;
	v25 =	vadd.s32 $0x56, v3;
	v17 =	vadd.s32 $0x49, v3;
	[tilespmem:$0x1FF40] =	vst v40  }
0x20: {  	v47 =	vadd.s32 $0x48, v3;
	v13 =	vadd.s32 $0x4C, v3;
	v14 =	vadd.s32 $0x5C, v3;
	[tilespmem:$0x1FF50] =	vst v17  }
0x21: {  	v55 =	vadd.s32 $0x4D, v3;
	v2 =	vimm.s32 $0x68082848;
	v1 =	vimm.s32 $0x78183858;
	[tilespmem:$0x1FF60] =	vst v47  }
0x22: {  	v49 =	vunpack.c.0.s8.s32 v2;
	v51 =	vunpack.c.0.s8.s32 v1;
	v1 =	vimm.s32 $0x79193959;
	[tilespmem:$0x1FF80] =	vst v15  }
0x23: {  	s1 =	stileid.u32;
	s3 =	srdreg.scid;
	v2 =	vimm.s32 $0x69092949;
	[tilespmem:$0x1FF90] =	vst v60;
	v52 =	vunpack.c.0.s8.s32 v1;
	v1 =	vimm.s32 $0x7A1A3A5A  }
0x24: {  	s12 =	simm.s32 $0x80;
	s13 =	simm.s32 $0x2;
	s15 =	simm.s32 $0x10400;
	v53 =	vunpack.c.0.s8.s32 v2;
	v2 =	vimm.s32 $0x6A0A2A4A;
	[tilespmem:$0x1FFA0] =	vst v8;
	v1 =	vunpack.c.0.s8.s32 v1  }
0x25: {  	s6 =	sand.u32 $0x1, s3;
	s31 =	sshll.u32 s1, $0x1;
	s4 =	sshll.u32 s1, $0x7;
	v48 =	vadd.s32 $0x5D, v3;
	v50 =	vunpack.c.0.s8.s32 v2;
	v2 =	vimm.s32 $0x6B0B2B4B;
	[tilespmem:$0x1FFB0] =	vst v13  }
0x26: {  	s3 =	sadd.s32 $0x600, s5;
	s8 =	sor.u32 s6, s31;
	s9 =	sand.u32 $0x600, s4;
	v45 =	vadd.s32 $0x4E, v3;
	v18 =	vunpack.c.0.s8.s32 v2;
	[tilespmem:$0x1FE40] =	vst v1;
	v1 =	vimm.s32 $0x7B1B3B5B  }
0x27: {  	s4 =	sadd.s32 $0x400, s5;
	s6 =	ssub.s32 $0x2, s6;
	s10 =	sshll.u32 s8, $0x4;
	v2 =	vimm.s32 $0x6C0C2C4C;
	[tilespmem:$0x1FFC0] =	vst v14;
	v46 =	vunpack.c.0.s8.s32 v1;
	v1 =	vimm.s32 $0x7C1C3C5C  }
0x28: {  	s9 =	sadd.s32 s9, s5;
	s8 =	smul.u32 $0x1800, s8;
	s10 =	sand.u32 $0x70, s10;
	v43 =	vunpack.c.0.s8.s32 v2;
	[tilespmem:$0x1FFD0] =	vst v55;
	v54 =	vunpack.c.0.s8.s32 v1;
	v1 =	vimm.s32 $0x7D1D3D5D  }
0x29: {  	s5 =	sadd.s32 $0x1000, s5;
	s11 =	sshrl.u32 s6, $0x1;
	s9 =	sadd.s32 s10, s9;
	v2 =	vimm.s32 $0x6D0D2D4D;
	[tilespmem:$0x1FFE0] =	vst v48;
	v57 =	vunpack.c.0.s8.s32 v1;
	v1 =	vimm.s32 $0x7E1E3E5E  }
0x2a: {  	s7 =	sadd.s32 s7, s8;
	s8 =	simm.s32 $0x400;
	s10 =	simm.s32 $0x380;
	v56 =	vunpack.c.0.s8.s32 v2;
	v2 =	vimm.s32 $0x6E0E2E4E;
	[tilespmem:$0x1FFF0] =	vst v45;
	v16 =	vunpack.c.0.s8.s32 v1  }
0x2b: {  	s14 =	simm.s32 $0x1;
	s16 =	simm.s32 $0x0;
	s11 =	ssub.s32 s6, s11;
	v3 =	vimm.s32 $0x7F1F3F5F;
	v59 =	vunpack.c.0.s8.s32 v2;
	v2 =	vimm.s32 $0x6F0F2F4F;
	[tilespmem:$0x1FF20] =	vst v43  }
0x2c: {  	s11 =	smax.u32 s11, $0x1;
	s6 =	sadd.s32 $0x800, s9;
	s9 =	simm.s32 $0x200;
	v41 =	vunpack.c.0.s8.s32 v3;
	v61 =	vunpack.c.0.s8.s32 v2;
	[tilespmem:$0x1FF70] =	vst v16  }
.LBB2_1:
0x2d: {  	[tilespmem:s2], [sflag:$0x2] =	stream.strided.gather [hbm4b:s6+s12], $0x200, s8, s12, $0x38;
	[tilespmem:$0x1C400] =	vst v63  }
0x2e: {  	_ =	swait.ge [sflag:s13], $0x200  }
0x2f: {  	[sflag:s13] =	ssyncset.done $0x0  }
0x30: {  	[sflag:s13] =	ssyncadd.s32 $0xFFFFFE00  }
0x31: {  	[tilespmem:s9], [sflag:$0x2] =	stream.linear.gather [hbm4b:s3+s2], $0x180, $0x38;
	[tilespmem:$0x1C400] =	vst v63  }
0x32: {  	_ =	swait.ge [sflag:s13], $0x180  }
0x33: {  	[sflag:s13] =	ssyncset.done $0x0  }
0x34: {  	[sflag:s13] =	ssyncadd.s32 $0xFFFFFE80  }
0x35: {  	[tilespmem:s10], [sflag:$0x2] =	stream.linear.gather [hbm4b:s4+s2], $0x80, $0x38;
	[tilespmem:$0x1C400] =	vst v63  }
0x36: {  	_ =	swait.ge [sflag:s13], $0x80  }
0x37: {  	s17 =	simm.s32 $0x0;
	[sflag:s13] =	ssyncset.done $0x0  }
0x38: {  	s18 =	sand.u32 $0x1F0, s17;
	[sflag:s13] =	ssyncadd.s32 $0xFFFFFF80  }
0x39: {  	v1 =	vld [tilespmem:s18+$0x0];
	_ =	sdelay $0x1  }
0x3a: {  	s19 =	sand.u32 $0xC, s17  }
0x3b: {  	v2 =	vmov s19  }
0x3c: {  	vm0 =	veq.s32 v2, v0  }
0x3d: {  	v1 =	vnsel vm0, $0x0, v1  }
0x3e: {  	(xrf0) =	vadd.scan.msk.s32 $0xffff, v1;
	_ =	sdelay $0x5  }
0x3f: {  	v1, _, _ =	vpop (xrf0)  }
0x40: {  	(v2sf) =	vpush v1, $0xF;
	_ =	sdelay $0xe  }
0x41: {  	s22 =	spop (v2sf)  }
0x42: {  	s19 =	sshll.u32 s22, $0x4  }
0x43: {  	s19 =	sand.u32 $0xFFFFF0, s19  }
0x44: {  	s20 =	simm.s32 $0x400;
	s19 =	sadd.s32 s5, s19  }
0x45: {  	[tilespmem:s20], [sflag:$0x1] =	stream.linear.gather [hbm4b:s19+s2], $0x80, $0x38;
	[tilespmem:$0x1C400] =	vst v63  }
0x46: {  	v1 =	vld [tilespmem:s18+$0x0]  }
0x47: {  	s23 =	simm.s32 $0x1  }
0x48: {  	s19 =	sand.u32 $0xD, s23  }
0x49: {  	v2 =	vmov s19  }
0x4a: {  	vm13 =	veq.s32 v2, v0  }
0x4b: {  	v1 =	vnsel vm13, $0x0, v1  }
0x4c: {  	(xrf0) =	vadd.scan.msk.s32 $0xffff, v1;
	_ =	sdelay $0x5  }
0x4d: {  	v1, _, _ =	vpop (xrf0)  }
0x4e: {  	(v2sf) =	vpush v1, $0xF;
	_ =	sdelay $0xe  }
0x4f: {  	s24 =	spop (v2sf)  }
0x50: {  	s19 =	sshll.u32 s24, $0x4  }
0x51: {  	s19 =	sand.u32 $0xFFFFF0, s19  }
0x52: {  	s25 =	simm.s32 $0x480;
	s19 =	sadd.s32 s5, s19  }
0x53: {  	[tilespmem:s25], [sflag:$0x1] =	stream.linear.gather [hbm4b:s19+s2], $0x80, $0x38;
	[tilespmem:$0x1C400] =	vst v63  }
0x54: {  	v1 =	vld [tilespmem:s18+$0x0]  }
0x55: {  	s26 =	simm.s32 $0x2  }
0x56: {  	s19 =	sand.u32 $0xE, s26  }
0x57: {  	v2 =	vmov s19  }
0x58: {  	vm14 =	veq.s32 v2, v0  }
0x59: {  	v1 =	vnsel vm14, $0x0, v1  }
0x5a: {  	(xrf0) =	vadd.scan.msk.s32 $0xffff, v1;
	_ =	sdelay $0x5  }
0x5b: {  	v1, _, _ =	vpop (xrf0)  }
0x5c: {  	(v2sf) =	vpush v1, $0xF;
	_ =	sdelay $0xe  }
0x5d: {  	s28 =	spop (v2sf)  }
0x5e: {  	s19 =	sshll.u32 s28, $0x4  }
0x5f: {  	s19 =	sand.u32 $0xFFFFF0, s19  }
0x60: {  	s29 =	simm.s32 $0x500;
	s19 =	sadd.s32 s5, s19  }
0x61: {  	[tilespmem:s29], [sflag:$0x1] =	stream.linear.gather [hbm4b:s19+s2], $0x80, $0x38;
	[tilespmem:$0x1C400] =	vst v63  }
0x62: {  	v1 =	vld [tilespmem:s18+$0x0]  }
0x63: {  	s30 =	simm.s32 $0x3  }
0x64: {  	s18 =	sand.u32 $0xF, s30  }
0x65: {  	v2 =	vmov s18  }
0x66: {  	vm15 =	veq.s32 v2, v0  }
0x67: {  	v1 =	vnsel vm15, $0x0, v1  }
0x68: {  	(xrf0) =	vadd.scan.msk.s32 $0xffff, v1;
	_ =	sdelay $0x5  }
0x69: {  	v1, _, _ =	vpop (xrf0)  }
0x6a: {  	(v2sf) =	vpush v1, $0xF;
	_ =	sdelay $0xe  }
0x6b: {  	s31 =	spop (v2sf)  }
0x6c: {  	s18 =	simm.s32 $0x580;
	s19 =	sshll.u32 s31, $0x4  }
.LBB2_2:
0x6d: {  	s21 =	sand.u32 $0xFFFFF0, s19;
	s19 =	smov.u32 s17;
	s17 =	sadd.s32 $0x4, s17  }
0x6e: {  	s22 =	sand.u32 $0xC, s17;
	s20 =	sand.u32 $0x1F0, s17;
	s21 =	sadd.s32 s5, s21  }
0x6f: {  	v1 =	vmov s22;
	[tilespmem:s18], [sflag:$0x1] =	stream.linear.gather [hbm4b:s21+s2], $0x80, $0x38;
	[tilespmem:$0x1C400] =	vst v63  }
0x70: {  	p0 =	slt.u32 s17, $0x1FC;
	v2 =	vld [tilespmem:s20+$0x0];
	_ =	sdelay $0x3  }
0x71: {  	vm0 =	veq.s32 v1, v0  }
0x72: {  	v1 =	vnsel vm0, $0x0, v2  }
0x73: {  	(xrf0) =	vadd.scan.msk.s32 $0xffff, v1;
	_ =	sdelay $0x5  }
0x74: {  	v1, _, _ =	vpop (xrf0)  }
0x75: {  	(v2sf) =	vpush v1, $0xF;
	_ =	sdelay $0xe  }
0x76: {  	s21 =	spop (v2sf)  }
0x77: {  	s18 =	sadd.s32 $0x200, s18;
	s21 =	sshll.u32 s21, $0x4  }
0x78: {  	s21 =	sand.u32 $0xFFFFF0, s21  }
0x79: {  	s22 =	sadd.s32 $0xFFFFFE80, s18;
	s21 =	sadd.s32 s5, s21  }
0x7a: {  	[tilespmem:s22], [sflag:$0x1] =	stream.linear.gather [hbm4b:s21+s2], $0x80, $0x38;
	[tilespmem:$0x1C400] =	vst v63  }
0x7b: {  	v1 =	vld [tilespmem:s20+$0x0]  }
0x7c: {  	s21 =	sadd.s32 $0x5, s19  }
0x7d: {  	s21 =	sand.u32 $0xD, s21  }
0x7e: {  	v2 =	vmov s21  }
0x7f: {  	vm0 =	veq.s32 v2, v0  }
0x80: {  	v1 =	vnsel vm0, $0x0, v1  }
0x81: {  	(xrf0) =	vadd.scan.msk.s32 $0xffff, v1;
	_ =	sdelay $0x5  }
0x82: {  	v1, _, _ =	vpop (xrf0)  }
0x83: {  	(v2sf) =	vpush v1, $0xF;
	_ =	sdelay $0xe  }
0x84: {  	s21 =	spop (v2sf)  }
0x85: {  	s21 =	sshll.u32 s21, $0x4  }
0x86: {  	s21 =	sand.u32 $0xFFFFF0, s21  }
0x87: {  	s22 =	sadd.s32 $0xFFFFFF00, s18;
	s21 =	sadd.s32 s5, s21  }
0x88: {  	[tilespmem:s22], [sflag:$0x1] =	stream.linear.gather [hbm4b:s21+s2], $0x80, $0x38;
	[tilespmem:$0x1C400] =	vst v63  }
0x89: {  	v1 =	vld [tilespmem:s20+$0x0]  }
0x8a: {  	s21 =	sadd.s32 $0x6, s19  }
0x8b: {  	s21 =	sand.u32 $0xE, s21  }
0x8c: {  	v2 =	vmov s21  }
0x8d: {  	vm0 =	veq.s32 v2, v0  }
0x8e: {  	v1 =	vnsel vm0, $0x0, v1  }
0x8f: {  	(xrf0) =	vadd.scan.msk.s32 $0xffff, v1;
	_ =	sdelay $0x5  }
0x90: {  	v1, _, _ =	vpop (xrf0)  }
0x91: {  	(v2sf) =	vpush v1, $0xF;
	_ =	sdelay $0xe  }
0x92: {  	s21 =	spop (v2sf)  }
0x93: {  	s21 =	sshll.u32 s21, $0x4  }
0x94: {  	s21 =	sand.u32 $0xFFFFF0, s21  }
0x95: {  	s22 =	sadd.s32 $0xFFFFFF80, s18;
	s21 =	sadd.s32 s5, s21  }
0x96: {  	[tilespmem:s22], [sflag:$0x1] =	stream.linear.gather [hbm4b:s21+s2], $0x80, $0x38;
	[tilespmem:$0x1C400] =	vst v63  }
0x97: {  	v1 =	vld [tilespmem:s20+$0x0]  }
0x98: {  	s19 =	sadd.s32 $0x7, s19  }
0x99: {  	s19 =	sand.u32 $0xF, s19  }
0x9a: {  	v2 =	vmov s19  }
0x9b: {  	vm0 =	veq.s32 v2, v0  }
0x9c: {  	v1 =	vnsel vm0, $0x0, v1  }
0x9d: {  	(xrf0) =	vadd.scan.msk.s32 $0xffff, v1;
	_ =	sdelay $0x5  }
0x9e: {  	v1, _, _ =	vpop (xrf0)  }
0x9f: {  	(v2sf) =	vpush v1, $0xF;
	_ =	sdelay $0xb  }
.Ltmp0:
0xa0: {  	(pc) =	sbr.rel @p0 .LBB2_2-.Ltmp0, $3  }
0xa1: {  	_ =	sdelay $0x1  }
0xa2: {  	s19 =	spop (v2sf)  }
0xa3: {  	s19 =	sshll.u32 s19, $0x4  }
0xa4: {  	s17 =	sand.u32 $0xFFFFF0, s19  }
0xa5: {  	s17 =	sadd.s32 s5, s17  }
0xa6: {  	[tilespmem:s18], [sflag:$0x1] =	stream.linear.gather [hbm4b:s17+s2], $0x80, $0x38;
	[tilespmem:$0x1C400] =	vst v63  }
0xa7: {  	_ =	swait.ge [sflag:s14], $0x10000  }
0xa8: {  	[sflag:s14] =	ssyncset.done $0x0  }
0xa9: {  	s18 =	simm.s32 $0x500;
	[sflag:s14] =	ssyncadd.s32 $0xFFFF0000  }
0xaa: {  	v1 =	vld [tilespmem:s18+$0xFFFFFF00];
	_ =	sdelay $0x3  }
0xab: {  	s26 =	simm.s32 $0x10400  }
0xac: {  	[tilespmem:s26+$0x0] =	vst v1  }
0xad: {  	v1 =	vld [tilespmem:s18+$0xFFFFFF10];
	_ =	sdelay $0x4  }
0xae: {  	[tilespmem:s26+$0x10] =	vst v1  }
0xaf: {  	v1 =	vld [tilespmem:s18+$0xFFFFFF20];
	_ =	sdelay $0x4  }
0xb0: {  	[tilespmem:s26+$0x20] =	vst v1  }
0xb1: {  	v1 =	vld [tilespmem:s18+$0xFFFFFF30];
	_ =	sdelay $0x4  }
0xb2: {  	[tilespmem:s26+$0x30] =	vst v1  }
0xb3: {  	v1 =	vld [tilespmem:s18+$0xFFFFFF80];
	_ =	sdelay $0x4  }
0xb4: {  	[tilespmem:s26+$0x60] =	vst v1  }
0xb5: {  	v1 =	vld [tilespmem:s18+$0xFFFFFF90];
	_ =	sdelay $0x2  }
0xb6: {  	s28 =	simm.s32 $0x60  }
0xb7: {  	s19 =	sor.u32 $0x70, s28  }
0xb8: {  	[tilespmem:s19+$0x10400] =	vst v1  }
0xb9: {  	v1 =	vld [tilespmem:s18+$0xFFFFFFA0];
	_ =	sdelay $0x4  }
0xba: {  	[tilespmem:s26+$0x80] =	vst v1  }
0xbb: {  	v1 =	vld [tilespmem:s18+$0xFFFFFFB0];
	_ =	sdelay $0x4  }
0xbc: {  	[tilespmem:s26+$0x90] =	vst v1  }
0xbd: {  	v1 =	vld [tilespmem:s18+$0x0];
	_ =	sdelay $0x4  }
0xbe: {  	[tilespmem:s26+$0xC0] =	vst v1  }
0xbf: {  	v1 =	vld [tilespmem:s18+$0x10];
	_ =	sdelay $0x2  }
0xc0: {  	s29 =	simm.s32 $0xC0  }
0xc1: {  	s20 =	sor.u32 $0x50, s29  }
0xc2: {  	[tilespmem:s20+$0x10400] =	vst v1  }
0xc3: {  	v1 =	vld [tilespmem:s18+$0x20];
	_ =	sdelay $0x3  }
0xc4: {  	s30 =	sor.u32 $0x60, s29  }
0xc5: {  	[tilespmem:s30+$0x10400] =	vst v1  }
0xc6: {  	v1 =	vld [tilespmem:s18+$0x30];
	_ =	sdelay $0x3  }
0xc7: {  	s19 =	sor.u32 $0x70, s29  }
0xc8: {  	[tilespmem:s19+$0x10400] =	vst v1  }
0xc9: {  	v1 =	vld [tilespmem:s18+$0x80];
	_ =	sdelay $0x4  }
0xca: {  	[tilespmem:s26+$0x120] =	vst v1  }
0xcb: {  	v1 =	vld [tilespmem:s18+$0x90];
	_ =	sdelay $0x2  }
0xcc: {  	s31 =	simm.s32 $0x120  }
0xcd: {  	s19 =	sor.u32 $0x30, s31  }
0xce: {  	[tilespmem:s19+$0x10400] =	vst v1  }
0xcf: {  	v1 =	vld [tilespmem:s18+$0xA0];
	_ =	sdelay $0x4  }
0xd0: {  	[tilespmem:s26+$0x140] =	vst v1  }
0xd1: {  	v1 =	vld [tilespmem:s18+$0xB0];
	_ =	sdelay $0x2  }
0xd2: {  	s19 =	simm.s32 $0x140  }
0xd3: {  	s21 =	simm.s32 $0x10580;
	s20 =	simm.s32 $0x0;
	s22 =	sor.u32 $0x50, s19  }
.LBB2_4:
0xd4: {  	s20 =	sadd.s32 $0x4, s20;
	[tilespmem:s22+$0x10400] =	vst v1;
	s19 =	sadd.s32 $0x180, s19;
	s18 =	sadd.s32 $0x200, s18  }
0xd5: {  	v1 =	vld [tilespmem:s18+$0xFFFFFF00];
	p0 =	slt.u32 s20, $0x1FC;
	_ =	sdelay $0x4  }
0xd6: {  	[tilespmem:s21+$0x0] =	vst v1  }
0xd7: {  	v1 =	vld [tilespmem:s18+$0xFFFFFF10];
	_ =	sdelay $0x4  }
0xd8: {  	[tilespmem:s21+$0x10] =	vst v1  }
0xd9: {  	v1 =	vld [tilespmem:s18+$0xFFFFFF20];
	_ =	sdelay $0x4  }
0xda: {  	[tilespmem:s21+$0x20] =	vst v1  }
0xdb: {  	v1 =	vld [tilespmem:s18+$0xFFFFFF30];
	_ =	sdelay $0x4  }
0xdc: {  	[tilespmem:s21+$0x30] =	vst v1  }
0xdd: {  	v1 =	vld [tilespmem:s18+$0xFFFFFF80];
	_ =	sdelay $0x4  }
0xde: {  	[tilespmem:s21+$0x60] =	vst v1  }
0xdf: {  	v1 =	vld [tilespmem:s18+$0xFFFFFF90];
	_ =	sdelay $0x2  }
0xe0: {  	s17 =	sadd.s32 $0xFFFFFF20, s19  }
0xe1: {  	s17 =	sor.u32 $0x70, s17  }
0xe2: {  	[tilespmem:s17+$0x10400] =	vst v1  }
0xe3: {  	v1 =	vld [tilespmem:s18+$0xFFFFFFA0];
	_ =	sdelay $0x4  }
0xe4: {  	[tilespmem:s21+$0x80] =	vst v1  }
0xe5: {  	v1 =	vld [tilespmem:s18+$0xFFFFFFB0];
	_ =	sdelay $0x4  }
0xe6: {  	[tilespmem:s21+$0x90] =	vst v1  }
0xe7: {  	v1 =	vld [tilespmem:s18+$0x0];
	_ =	sdelay $0x4  }
0xe8: {  	[tilespmem:s21+$0xC0] =	vst v1  }
0xe9: {  	v1 =	vld [tilespmem:s18+$0x10];
	_ =	sdelay $0x2  }
0xea: {  	s17 =	sadd.s32 $0xFFFFFF80, s19  }
0xeb: {  	s22 =	sor.u32 $0x50, s17  }
0xec: {  	[tilespmem:s22+$0x10400] =	vst v1  }
0xed: {  	v1 =	vld [tilespmem:s18+$0x20];
	_ =	sdelay $0x3  }
0xee: {  	s22 =	sor.u32 $0x60, s17  }
0xef: {  	[tilespmem:s22+$0x10400] =	vst v1  }
0xf0: {  	v1 =	vld [tilespmem:s18+$0x30];
	_ =	sdelay $0x3  }
0xf1: {  	s17 =	sor.u32 $0x70, s17  }
0xf2: {  	[tilespmem:s17+$0x10400] =	vst v1  }
0xf3: {  	v1 =	vld [tilespmem:s18+$0x80];
	_ =	sdelay $0x4  }
0xf4: {  	[tilespmem:s21+$0x120] =	vst v1  }
0xf5: {  	v1 =	vld [tilespmem:s18+$0x90];
	_ =	sdelay $0x2  }
0xf6: {  	s17 =	sadd.s32 $0xFFFFFFE0, s19  }
0xf7: {  	s17 =	sor.u32 $0x30, s17  }
0xf8: {  	[tilespmem:s17+$0x10400] =	vst v1  }
0xf9: {  	v1 =	vld [tilespmem:s18+$0xA0];
	_ =	sdelay $0x4  }
0xfa: {  	[tilespmem:s21+$0x140] =	vst v1  }
.Ltmp1:
0xfb: {  	v1 =	vld [tilespmem:s18+$0xB0];
	(pc) =	sbr.rel @p0 .LBB2_4-.Ltmp1, $2  }
0xfc: {  	_ =	sdelay $0x2  }
0xfd: {  	s22 =	sor.u32 $0x50, s19;
	s17 =	simm.s32 $0x0;
	s21 =	sadd.s32 $0x180, s21  }
0xfe: {  	[tilespmem:s22+$0x10400] =	vst v1  }
0xff: {  	v2 =	vld [tilespmem:s17+$0x0];
	_ =	sdelay $0x3  }
0x100: {  	v1 =	vmov s17  }
0x101: {  	v4 =	vmul.u32 $0x60, v1;
	v3 =	vshrl.u32 v2, $0x10  }
0x102: {  	v1 =	vand.u32 $0x1F0, v3  }
0x103: {  	v3 =	vbroadcast v4, $0x0;
	_ =	sdelay $0x1  }
0x104: {  	v4 =	vadd.s32 v9, v3  }
0x105: {  	v4 =	vand.u32 $0xFFFFFF80, v4  }
0x106: {  	v2 =	vshrl.u32 v2, $0x15;
	v4 =	vor.u32 v10, v4;
	v5 =	vld.idx.msk [tilespmem:v1+s9+$0x0], $0xffff  }
0x107: {  	v2 =	vand.u32 $0x70, v2;
	_ =	sdelay $0x2  }
0x108: {  	v6 =	vadd.s32 v11, v3  }
0x109: {  	v6 =	vand.u32 $0xFFFFFF80, v6;
	[tilespmem:v4+s15+$0x0] =	vst.idx.msk $0xffff, v5  }
0x10a: {  	v5 =	vor.u32 v37, v6;
	v4 =	vld.idx.msk [tilespmem:v2+s10+$0x0], $0xffff  }
0x10b: {  	v6 =	vor.u32 $0x1, v1;
	_ =	sdelay $0x2  }
0x10c: {  	v7 =	vadd.s32 v12, v3  }
0x10d: {  	v7 =	vand.u32 $0xFFFFFF80, v7;
	[tilespmem:v5+s15+$0x0] =	vst.idx.msk $0xffff, v4  }
0x10e: {  	v5 =	vor.u32 v38, v7;
	v4 =	vld.idx.msk [tilespmem:v6+s9+$0x0], $0xffff  }
0x10f: {  	v6 =	vor.u32 $0x1, v2;
	_ =	sdelay $0x2  }
0x110: {  	v7 =	vadd.s32 v15, v3  }
0x111: {  	v7 =	vand.u32 $0xFFFFFF80, v7;
	[tilespmem:v5+s15+$0x0] =	vst.idx.msk $0xffff, v4  }
0x112: {  	v5 =	vor.u32 v8, v7;
	v4 =	vld.idx.msk [tilespmem:v6+s10+$0x0], $0xffff  }
0x113: {  	v0 =	vld [tilespmem:$0x1FE00];
	v6 =	vor.u32 $0x2, v1;
	_ =	sdelay $0x2  }
0x114: {  	v7 =	vadd.s32 v60, v3  }
0x115: {  	v7 =	vand.u32 $0xFFFFFF80, v7;
	[tilespmem:v5+s15+$0x0] =	vst.idx.msk $0xffff, v4  }
0x116: {  	v5 =	vor.u32 v0, v7;
	v4 =	vld.idx.msk [tilespmem:v6+s9+$0x0], $0xffff  }
0x117: {  	v0 =	vld [tilespmem:$0x1FE10];
	v6 =	vor.u32 $0x2, v2;
	_ =	sdelay $0x2  }
0x118: {  	v7 =	vadd.s32 v62, v3  }
0x119: {  	v7 =	vand.u32 $0xFFFFFF80, v7;
	[tilespmem:v5+s15+$0x0] =	vst.idx.msk $0xffff, v4  }
0x11a: {  	v5 =	vor.u32 v0, v7;
	v4 =	vld.idx.msk [tilespmem:v6+s10+$0x0], $0xffff  }
0x11b: {  	v6 =	vor.u32 $0x3, v1;
	_ =	sdelay $0x2  }
0x11c: {  	v7 =	vadd.s32 v58, v3  }
0x11d: {  	v7 =	vand.u32 $0xFFFFFF80, v7;
	[tilespmem:v5+s15+$0x0] =	vst.idx.msk $0xffff, v4  }
0x11e: {  	v5 =	vor.u32 v31, v7;
	v4 =	vld.idx.msk [tilespmem:v6+s9+$0x0], $0xffff  }
0x11f: {  	v6 =	vor.u32 $0x3, v2;
	_ =	sdelay $0x2  }
0x120: {  	v7 =	vadd.s32 v19, v3  }
0x121: {  	v7 =	vand.u32 $0xFFFFFF80, v7;
	[tilespmem:v5+s15+$0x0] =	vst.idx.msk $0xffff, v4  }
0x122: {  	v5 =	vor.u32 v32, v7;
	v4 =	vld.idx.msk [tilespmem:v6+s10+$0x0], $0xffff  }
0x123: {  	v6 =	vor.u32 $0x4, v1;
	_ =	sdelay $0x2  }
0x124: {  	v7 =	vadd.s32 v20, v3  }
0x125: {  	v7 =	vand.u32 $0xFFFFFF80, v7;
	[tilespmem:v5+s15+$0x0] =	vst.idx.msk $0xffff, v4  }
0x126: {  	v5 =	vor.u32 v33, v7;
	v4 =	vld.idx.msk [tilespmem:v6+s9+$0x0], $0xffff  }
0x127: {  	v6 =	vor.u32 $0x4, v2;
	_ =	sdelay $0x2  }
0x128: {  	v7 =	vadd.s32 v21, v3  }
0x129: {  	v7 =	vand.u32 $0xFFFFFF80, v7;
	[tilespmem:v5+s15+$0x0] =	vst.idx.msk $0xffff, v4  }
0x12a: {  	v5 =	vor.u32 v30, v7;
	v4 =	vld.idx.msk [tilespmem:v6+s10+$0x0], $0xffff  }
0x12b: {  	v6 =	vor.u32 $0x5, v1;
	_ =	sdelay $0x2  }
0x12c: {  	v7 =	vadd.s32 v22, v3  }
0x12d: {  	v7 =	vand.u32 $0xFFFFFF80, v7;
	[tilespmem:v5+s15+$0x0] =	vst.idx.msk $0xffff, v4  }
0x12e: {  	v5 =	vor.u32 v29, v7;
	v4 =	vld.idx.msk [tilespmem:v6+s9+$0x0], $0xffff  }
0x12f: {  	v6 =	vor.u32 $0x5, v2;
	_ =	sdelay $0x2  }
0x130: {  	v7 =	vadd.s32 v23, v3  }
0x131: {  	v7 =	vand.u32 $0xFFFFFF80, v7;
	[tilespmem:v5+s15+$0x0] =	vst.idx.msk $0xffff, v4  }
0x132: {  	v5 =	vor.u32 v28, v7;
	v4 =	vld.idx.msk [tilespmem:v6+s10+$0x0], $0xffff  }
0x133: {  	v6 =	vor.u32 $0x6, v1;
	_ =	sdelay $0x2  }
0x134: {  	v7 =	vadd.s32 v24, v3  }
0x135: {  	v7 =	vand.u32 $0xFFFFFF80, v7;
	[tilespmem:v5+s15+$0x0] =	vst.idx.msk $0xffff, v4  }
0x136: {  	v5 =	vor.u32 v27, v7;
	v4 =	vld.idx.msk [tilespmem:v6+s9+$0x0], $0xffff  }
0x137: {  	v6 =	vor.u32 $0x6, v2;
	_ =	sdelay $0x2  }
0x138: {  	v7 =	vadd.s32 v25, v3  }
0x139: {  	v7 =	vand.u32 $0xFFFFFF80, v7;
	[tilespmem:v5+s15+$0x0] =	vst.idx.msk $0xffff, v4  }
0x13a: {  	v5 =	vor.u32 v26, v7;
	v4 =	vld.idx.msk [tilespmem:v6+s10+$0x0], $0xffff  }
0x13b: {  	v0 =	vld [tilespmem:$0x1FE20];
	v6 =	vor.u32 $0x7, v1;
	_ =	sdelay $0x2  }
0x13c: {  	v7 =	vadd.s32 v42, v3  }
0x13d: {  	v7 =	vand.u32 $0xFFFFFF80, v7;
	[tilespmem:v5+s15+$0x0] =	vst.idx.msk $0xffff, v4  }
0x13e: {  	v5 =	vor.u32 v0, v7;
	v4 =	vld.idx.msk [tilespmem:v6+s9+$0x0], $0xffff  }
0x13f: {  	v0 =	vld [tilespmem:$0x1FE30];
	v6 =	vor.u32 $0x7, v2;
	_ =	sdelay $0x2  }
0x140: {  	v7 =	vadd.s32 v36, v3  }
0x141: {  	v7 =	vand.u32 $0xFFFFFF80, v7;
	[tilespmem:v5+s15+$0x0] =	vst.idx.msk $0xffff, v4  }
0x142: {  	v5 =	vor.u32 v0, v7;
	v4 =	vld.idx.msk [tilespmem:v6+s10+$0x0], $0xffff  }
0x143: {  	v6 =	vor.u32 $0x8, v1;
	_ =	sdelay $0x2  }
0x144: {  	v7 =	vadd.s32 v47, v3  }
0x145: {  	v7 =	vand.u32 $0xFFFFFF80, v7;
	[tilespmem:v5+s15+$0x0] =	vst.idx.msk $0xffff, v4  }
0x146: {  	v5 =	vor.u32 v49, v7;
	v4 =	vld.idx.msk [tilespmem:v6+s9+$0x0], $0xffff  }
0x147: {  	v6 =	vor.u32 $0x8, v2;
	_ =	sdelay $0x2  }
0x148: {  	v7 =	vadd.s32 v44, v3  }
0x149: {  	v7 =	vand.u32 $0xFFFFFF80, v7;
	[tilespmem:v5+s15+$0x0] =	vst.idx.msk $0xffff, v4  }
0x14a: {  	v5 =	vor.u32 v51, v7;
	v4 =	vld.idx.msk [tilespmem:v6+s10+$0x0], $0xffff  }
0x14b: {  	v6 =	vor.u32 $0x9, v1;
	_ =	sdelay $0x2  }
0x14c: {  	v7 =	vadd.s32 v17, v3  }
0x14d: {  	v7 =	vand.u32 $0xFFFFFF80, v7;
	[tilespmem:v5+s15+$0x0] =	vst.idx.msk $0xffff, v4  }
0x14e: {  	v5 =	vor.u32 v53, v7;
	v4 =	vld.idx.msk [tilespmem:v6+s9+$0x0], $0xffff  }
0x14f: {  	v6 =	vor.u32 $0x9, v2;
	_ =	sdelay $0x2  }
0x150: {  	v7 =	vadd.s32 v40, v3  }
0x151: {  	v7 =	vand.u32 $0xFFFFFF80, v7;
	[tilespmem:v5+s15+$0x0] =	vst.idx.msk $0xffff, v4  }
0x152: {  	v5 =	vor.u32 v52, v7;
	v4 =	vld.idx.msk [tilespmem:v6+s10+$0x0], $0xffff  }
0x153: {  	v6 =	vor.u32 $0xA, v1;
	_ =	sdelay $0x2  }
0x154: {  	v7 =	vadd.s32 v39, v3  }
0x155: {  	v7 =	vand.u32 $0xFFFFFF80, v7;
	[tilespmem:v5+s15+$0x0] =	vst.idx.msk $0xffff, v4  }
0x156: {  	v5 =	vor.u32 v50, v7;
	v4 =	vld.idx.msk [tilespmem:v6+s9+$0x0], $0xffff  }
0x157: {  	v0 =	vld [tilespmem:$0x1FE40];
	v6 =	vor.u32 $0xA, v2;
	_ =	sdelay $0x2  }
0x158: {  	v7 =	vadd.s32 v34, v3  }
0x159: {  	v7 =	vand.u32 $0xFFFFFF80, v7;
	[tilespmem:v5+s15+$0x0] =	vst.idx.msk $0xffff, v4  }
0x15a: {  	v5 =	vor.u32 v0, v7;
	v4 =	vld.idx.msk [tilespmem:v6+s10+$0x0], $0xffff  }
0x15b: {  	v6 =	vor.u32 $0xB, v1;
	_ =	sdelay $0x2  }
0x15c: {  	v7 =	vadd.s32 v35, v3  }
0x15d: {  	v7 =	vand.u32 $0xFFFFFF80, v7;
	[tilespmem:v5+s15+$0x0] =	vst.idx.msk $0xffff, v4  }
0x15e: {  	v5 =	vor.u32 v18, v7;
	v4 =	vld.idx.msk [tilespmem:v6+s9+$0x0], $0xffff  }
0x15f: {  	v6 =	vor.u32 $0xB, v2;
	_ =	sdelay $0x2  }
0x160: {  	v7 =	vadd.s32 v63, v3  }
0x161: {  	v7 =	vand.u32 $0xFFFFFF80, v7;
	[tilespmem:v5+s15+$0x0] =	vst.idx.msk $0xffff, v4  }
0x162: {  	v5 =	vor.u32 v46, v7;
	v4 =	vld.idx.msk [tilespmem:v6+s10+$0x0], $0xffff  }
0x163: {  	v6 =	vor.u32 $0xC, v1;
	_ =	sdelay $0x2  }
0x164: {  	v7 =	vadd.s32 v13, v3  }
0x165: {  	v7 =	vand.u32 $0xFFFFFF80, v7;
	[tilespmem:v5+s15+$0x0] =	vst.idx.msk $0xffff, v4  }
0x166: {  	v5 =	vor.u32 v43, v7;
	v4 =	vld.idx.msk [tilespmem:v6+s9+$0x0], $0xffff  }
0x167: {  	v6 =	vor.u32 $0xC, v2;
	_ =	sdelay $0x2  }
0x168: {  	v7 =	vadd.s32 v14, v3  }
0x169: {  	v7 =	vand.u32 $0xFFFFFF80, v7;
	[tilespmem:v5+s15+$0x0] =	vst.idx.msk $0xffff, v4  }
0x16a: {  	v5 =	vor.u32 v54, v7;
	v4 =	vld.idx.msk [tilespmem:v6+s10+$0x0], $0xffff  }
0x16b: {  	v6 =	vor.u32 $0xD, v1;
	_ =	sdelay $0x2  }
0x16c: {  	v7 =	vadd.s32 v55, v3  }
0x16d: {  	v7 =	vand.u32 $0xFFFFFF80, v7;
	[tilespmem:v5+s15+$0x0] =	vst.idx.msk $0xffff, v4  }
0x16e: {  	v5 =	vor.u32 v56, v7;
	v4 =	vld.idx.msk [tilespmem:v6+s9+$0x0], $0xffff  }
0x16f: {  	v6 =	vor.u32 $0xD, v2;
	_ =	sdelay $0x2  }
0x170: {  	v7 =	vadd.s32 v48, v3  }
0x171: {  	v7 =	vand.u32 $0xFFFFFF80, v7;
	[tilespmem:v5+s15+$0x0] =	vst.idx.msk $0xffff, v4  }
0x172: {  	v5 =	vor.u32 v57, v7;
	v4 =	vld.idx.msk [tilespmem:v6+s10+$0x0], $0xffff  }
0x173: {  	v6 =	vor.u32 $0xE, v1;
	_ =	sdelay $0x2  }
0x174: {  	v8 =	vld [tilespmem:$0x1FE50];
	v7 =	vadd.s32 v45, v3  }
0x175: {  	v7 =	vand.u32 $0xFFFFFF80, v7;
	[tilespmem:v5+s15+$0x0] =	vst.idx.msk $0xffff, v4  }
0x176: {  	v5 =	vor.u32 v59, v7;
	v4 =	vld.idx.msk [tilespmem:v6+s9+$0x0], $0xffff  }
0x177: {  	v6 =	vor.u32 $0xE, v2;
	_ =	sdelay $0x1  }
0x178: {  	v0 =	vadd.s32 $0x5E, v8  }
0x179: {  	v7 =	vadd.s32 v0, v3  }
0x17a: {  	v7 =	vand.u32 $0xFFFFFF80, v7;
	[tilespmem:v5+s15+$0x0] =	vst.idx.msk $0xffff, v4  }
0x17b: {  	v5 =	vor.u32 v16, v7;
	v4 =	vld.idx.msk [tilespmem:v6+s10+$0x0], $0xffff  }
0x17c: {  	v6 =	vor.u32 $0xF, v1;
	_ =	sdelay $0x1  }
0x17d: {  	[tilespmem:$0x1FDD0] =	vst v0;
	v0 =	vadd.s32 $0x4F, v8  }
0x17e: {  	v7 =	vadd.s32 v0, v3  }
0x17f: {  	[tilespmem:v5+s15+$0x0] =	vst.idx.msk $0xffff, v4;
	v4 =	vand.u32 $0xFFFFFF80, v7  }
0x180: {  	v5 =	vld.idx.msk [tilespmem:v6+s9+$0x0], $0xffff;
	v4 =	vor.u32 v61, v4  }
0x181: {  	v6 =	vor.u32 $0xF, v2;
	_ =	sdelay $0x1  }
0x182: {  	[tilespmem:$0x1FDE0] =	vst v0;
	v0 =	vadd.s32 $0x5F, v8  }
0x183: {  	v3 =	vadd.s32 v0, v3  }
0x184: {  	[tilespmem:v4+s15+$0x0] =	vst.idx.msk $0xffff, v5;
	v4 =	vand.u32 $0xFFFFFF80, v3  }
0x185: {  	s18 =	simm.s32 $0x10;
	[tilespmem:$0x1FDF0] =	vst v0;
	v3 =	vld.idx.msk [tilespmem:v6+s10+$0x0], $0xffff;
	v4 =	vor.u32 v41, v4  }
.LBB2_6:
0x186: {  	_ =	sdelay $0x3  }
0x187: {  	s17 =	sadd.s32 $0x10, s17;
	[tilespmem:v4+s15+$0x0] =	vst.idx.msk $0xffff, v3  }
0x188: {  	v3 =	vld [tilespmem:s17+$0x0];
	_ =	sdelay $0x3  }
0x189: {  	s19 =	smov.u32 s18  }
0x18a: {  	v4 =	vshrl.u32 v3, $0x10;
	v5 =	vshrl.u32 v3, $0x15;
	v3 =	vmov s19  }
0x18b: {  	v6 =	vmul.u32 $0x60, v3;
	_ =	sdelay $0x1  }
0x18c: {  	v2 =	vmovc v17;
	v17 =	vmov v59;
	v59 =	vmov v28;
	v28 =	vbroadcast v6, $0x0;
	_ =	sdelay $0x1  }
0x18d: {  	v3 =	vand.u32 $0x1F0, v4;
	v4 =	vadd.s32 v9, v28  }
0x18e: {  	v6 =	vadd.s32 v11, v28;
	v7 =	vadd.s32 v12, v28;
	v11 =	vadd.s32 v60, v28  }
0x18f: {  	v14 =	vmovc v57;
	v57 =	vmovc v29;
	v12 =	vadd.s32 v19, v28;
	v4 =	vand.u32 $0xFFFFFF80, v4;
	v29 =	vand.u32 $0xFFFFFF80, v11  }
0x190: {  	v1 =	vand.u32 $0xFFFFFF80, v12;
	v9 =	vor.u32 v10, v4;
	v10 =	vadd.s32 v15, v28  }
0x191: {  	v4 =	vand.u32 $0x70, v5;
	v5 =	vand.u32 $0xFFFFFF80, v10;
	v10 =	vadd.s32 v62, v28  }
0x192: {  	v55 =	vmovc v30;
	v12 =	vadd.s32 v22, v28;
	v30 =	vand.u32 $0xFFFFFF80, v10;
	v10 =	vadd.s32 v20, v28  }
0x193: {  	v8 =	vld.idx.msk [tilespmem:v3+s9+$0x0], $0xffff;
	v11 =	vadd.s32 v58, v28;
	v13 =	vand.u32 $0xFFFFFF80, v10;
	v10 =	vadd.s32 v24, v28  }
0x194: {  	v16 =	vmovc v26;
	v60 =	vmovc v24;
	v0 =	vand.u32 $0xFFFFFF80, v11;
	v24 =	vand.u32 $0xFFFFFF80, v10;
	v10 =	vadd.s32 v42, v28  }
0x195: {  	v26 =	vand.u32 $0xFFFFFF80, v12;
	v12 =	vmovc v56;
	v56 =	vmovc v22;
	v22 =	vand.u32 $0xFFFFFF80, v10;
	v10 =	vadd.s32 v36, v28  }
0x196: {  	v11 =	vadd.s32 v21, v28;
	v36 =	vmovc v54;
	v54 =	vmovc v21;
	v21 =	vand.u32 $0xFFFFFF80, v10;
	v10 =	vadd.s32 v44, v28  }
0x197: {  	v42 =	vmovc v41;
	v41 =	vmovc v50;
	v50 =	vmov v19;
	v19 =	vand.u32 $0xFFFFFF80, v10;
	v10 =	vadd.s32 v2, v28;
	v2 =	vld [tilespmem:$0x1FFB0]  }
0x198: {  	v6 =	vand.u32 $0xFFFFFF80, v6;
	v15 =	vmov v61;
	[tilespmem:v9+s15+$0x0] =	vst.idx.msk $0xffff, v8  }
0x199: {  	v61 =	vmovc v27;
	v6 =	vor.u32 v37, v6;
	v27 =	vand.u32 $0xFFFFFF80, v11;
	v9 =	vadd.s32 v23, v28;
	v8 =	vld.idx.msk [tilespmem:v4+s10+$0x0], $0xffff  }
0x19a: {  	v45 =	vmovc v62;
	v11 =	vadd.s32 v25, v28;
	v62 =	vmovc v25;
	v25 =	vand.u32 $0xFFFFFF80, v9;
	v9 =	vor.u32 $0x1, v3;
	_ =	sdelay $0x1  }
0x19b: {  	v44 =	vmov v18;
	v18 =	vand.u32 $0xFFFFFF80, v10;
	v10 =	vadd.s32 v2, v28;
	v2 =	vld [tilespmem:$0x1FFC0];
	_ =	sdelay $0x1  }
0x19c: {  	[tilespmem:v6+s15+$0x0] =	vst.idx.msk $0xffff, v8  }
0x19d: {  	v48 =	vmovc v58;
	v58 =	vmov v23;
	v23 =	vand.u32 $0xFFFFFF80, v11;
	v8 =	vld.idx.msk [tilespmem:v9+s9+$0x0], $0xffff;
	v9 =	vadd.s32 v35, v28  }
0x19e: {  	v11 =	vadd.s32 v47, v28;
	v47 =	vmovc v45;
	v45 =	vand.u32 $0xFFFFFF80, v9;
	v9 =	vadd.s32 v63, v28  }
0x19f: {  	v43 =	vand.u32 $0xFFFFFF80, v9;
	v9 =	vadd.s32 v2, v28  }
0x1a0: {  	v2 =	vand.u32 $0xFFFFFF80, v9  }
0x1a1: {  	[tilespmem:$0x1FDB0] =	vst v2;
	v2 =	vld [tilespmem:$0x1FFD0];
	_ =	sdelay $0x4  }
0x1a2: {  	v9 =	vadd.s32 v2, v28;
	v2 =	vld [tilespmem:$0x1FFE0];
	_ =	sdelay $0x4  }
0x1a3: {  	v63 =	vadd.s32 v2, v28  }
0x1a4: {  	v2 =	vand.u32 $0xFFFFFF80, v63  }
0x1a5: {  	[tilespmem:$0x1FDC0] =	vst v2;
	v2 =	vld [tilespmem:$0x1FFF0];
	_ =	sdelay $0x3  }
0x1a6: {  	v7 =	vand.u32 $0xFFFFFF80, v7  }
0x1a7: {  	v7 =	vor.u32 v38, v7;
	v38 =	vadd.s32 v2, v28;
	v2 =	vld [tilespmem:$0x1FDD0];
	_ =	sdelay $0x4  }
0x1a8: {  	[tilespmem:v7+s15+$0x0] =	vst.idx.msk $0xffff, v8;
	v7 =	vadd.s32 v2, v28;
	v2 =	vld [tilespmem:$0x1FDE0];
	_ =	sdelay $0x4  }
0x1a9: {  	v63 =	vadd.s32 v2, v28;
	v2 =	vld [tilespmem:$0x1FDF0];
	_ =	sdelay $0x2  }
0x1aa: {  	v37 =	vmovc v52;
	v52 =	vmov v20;
	v20 =	vand.u32 $0xFFFFFF80, v11;
	v6 =	vadd.s32 v39, v28  }
0x1ab: {  	v11 =	vadd.s32 v40, v28;
	v39 =	vand.u32 $0xFFFFFF80, v6;
	v6 =	vadd.s32 v34, v28  }
0x1ac: {  	v40 =	vand.u32 $0xFFFFFF80, v6;
	v6 =	vor.u32 $0x1, v4;
	v28 =	vadd.s32 v2, v28;
	v2 =	vld [tilespmem:$0x1FFA0];
	_ =	sdelay $0x4  }
0x1ad: {  	v8 =	vand.u32 $0xFFFFFF80, v38;
	v38 =	vld.idx.msk [tilespmem:v6+s10+$0x0], $0xffff;
	v6 =	vand.u32 $0xFFFFFF80, v63;
	v63 =	vor.u32 v2, v5;
	_ =	sdelay $0x4  }
0x1ae: {  	v5 =	vand.u32 $0xFFFFFF80, v28;
	v28 =	vor.u32 $0x2, v3;
	[tilespmem:v63+s15+$0x0] =	vst.idx.msk $0xffff, v38;
	v38 =	vld [tilespmem:$0x1FE00];
	_ =	sdelay $0x4  }
0x1af: {  	v28 =	vld.idx.msk [tilespmem:v28+s9+$0x0], $0xffff;
	v29 =	vor.u32 v38, v29;
	_ =	sdelay $0x4  }
0x1b0: {  	v38 =	vor.u32 $0x2, v4;
	[tilespmem:v29+s15+$0x0] =	vst.idx.msk $0xffff, v28;
	v29 =	vld [tilespmem:$0x1FE10];
	_ =	sdelay $0x4  }
0x1b1: {  	v28 =	vld.idx.msk [tilespmem:v38+s10+$0x0], $0xffff;
	v29 =	vor.u32 v29, v30  }
0x1b2: {  	v30 =	vor.u32 $0x3, v3;
	_ =	sdelay $0x3  }
0x1b3: {  	[tilespmem:v29+s15+$0x0] =	vst.idx.msk $0xffff, v28  }
0x1b4: {  	v29 =	vor.u32 v31, v0;
	v28 =	vld.idx.msk [tilespmem:v30+s9+$0x0], $0xffff  }
0x1b5: {  	v30 =	vor.u32 $0x3, v4;
	_ =	sdelay $0x3  }
0x1b6: {  	[tilespmem:v29+s15+$0x0] =	vst.idx.msk $0xffff, v28  }
0x1b7: {  	v29 =	vor.u32 v32, v1;
	v28 =	vld.idx.msk [tilespmem:v30+s10+$0x0], $0xffff  }
0x1b8: {  	v30 =	vor.u32 $0x4, v3;
	_ =	sdelay $0x3  }
0x1b9: {  	[tilespmem:v29+s15+$0x0] =	vst.idx.msk $0xffff, v28  }
0x1ba: {  	v29 =	vor.u32 v33, v13;
	v28 =	vld.idx.msk [tilespmem:v30+s9+$0x0], $0xffff  }
0x1bb: {  	v30 =	vor.u32 $0x4, v4;
	_ =	sdelay $0x3  }
0x1bc: {  	[tilespmem:v29+s15+$0x0] =	vst.idx.msk $0xffff, v28  }
0x1bd: {  	v27 =	vor.u32 v55, v27;
	v28 =	vld.idx.msk [tilespmem:v30+s10+$0x0], $0xffff  }
0x1be: {  	v29 =	vor.u32 $0x5, v3;
	_ =	sdelay $0x3  }
0x1bf: {  	[tilespmem:v27+s15+$0x0] =	vst.idx.msk $0xffff, v28  }
0x1c0: {  	v27 =	vld.idx.msk [tilespmem:v29+s9+$0x0], $0xffff;
	v29 =	vmov v57  }
0x1c1: {  	v26 =	vor.u32 v29, v26  }
0x1c2: {  	v28 =	vor.u32 $0x5, v4;
	_ =	sdelay $0x3  }
0x1c3: {  	[tilespmem:v26+s15+$0x0] =	vst.idx.msk $0xffff, v27  }
0x1c4: {  	v26 =	vld.idx.msk [tilespmem:v28+s10+$0x0], $0xffff;
	v28 =	vmov v59  }
0x1c5: {  	v25 =	vor.u32 v28, v25  }
0x1c6: {  	v27 =	vor.u32 $0x6, v3;
	_ =	sdelay $0x3  }
0x1c7: {  	[tilespmem:v25+s15+$0x0] =	vst.idx.msk $0xffff, v26  }
0x1c8: {  	v25 =	vld.idx.msk [tilespmem:v27+s9+$0x0], $0xffff;
	v27 =	vmov v61  }
0x1c9: {  	v24 =	vor.u32 v27, v24  }
0x1ca: {  	v26 =	vor.u32 $0x6, v4;
	_ =	sdelay $0x3  }
0x1cb: {  	[tilespmem:v24+s15+$0x0] =	vst.idx.msk $0xffff, v25  }
0x1cc: {  	v23 =	vor.u32 v16, v23;
	v24 =	vld.idx.msk [tilespmem:v26+s10+$0x0], $0xffff  }
0x1cd: {  	v63 =	vld [tilespmem:$0x1FE20];
	v25 =	vor.u32 $0x7, v3;
	_ =	sdelay $0x3  }
0x1ce: {  	[tilespmem:v23+s15+$0x0] =	vst.idx.msk $0xffff, v24  }
0x1cf: {  	v22 =	vor.u32 v63, v22;
	v23 =	vld.idx.msk [tilespmem:v25+s9+$0x0], $0xffff  }
0x1d0: {  	v2 =	vld [tilespmem:$0x1FE30];
	v24 =	vor.u32 $0x7, v4;
	_ =	sdelay $0x3  }
0x1d1: {  	[tilespmem:v22+s15+$0x0] =	vst.idx.msk $0xffff, v23  }
0x1d2: {  	v21 =	vor.u32 v2, v21;
	v22 =	vld.idx.msk [tilespmem:v24+s10+$0x0], $0xffff  }
0x1d3: {  	v23 =	vor.u32 $0x8, v3;
	_ =	sdelay $0x3  }
0x1d4: {  	[tilespmem:v21+s15+$0x0] =	vst.idx.msk $0xffff, v22  }
0x1d5: {  	v20 =	vor.u32 v49, v20;
	v21 =	vld.idx.msk [tilespmem:v23+s9+$0x0], $0xffff  }
0x1d6: {  	v22 =	vor.u32 $0x8, v4;
	_ =	sdelay $0x3  }
0x1d7: {  	[tilespmem:v20+s15+$0x0] =	vst.idx.msk $0xffff, v21  }
0x1d8: {  	v19 =	vor.u32 v51, v19;
	v20 =	vld.idx.msk [tilespmem:v22+s10+$0x0], $0xffff  }
0x1d9: {  	v21 =	vor.u32 $0x9, v3;
	_ =	sdelay $0x3  }
0x1da: {  	[tilespmem:v19+s15+$0x0] =	vst.idx.msk $0xffff, v20  }
0x1db: {  	v18 =	vor.u32 v53, v18;
	v19 =	vld.idx.msk [tilespmem:v21+s9+$0x0], $0xffff  }
0x1dc: {  	v20 =	vor.u32 $0x9, v4;
	_ =	sdelay $0x3  }
0x1dd: {  	v11 =	vand.u32 $0xFFFFFF80, v11;
	[tilespmem:v18+s15+$0x0] =	vst.idx.msk $0xffff, v19  }
0x1de: {  	v59 =	vmov v17;
	v17 =	vor.u32 v37, v11;
	v18 =	vld.idx.msk [tilespmem:v20+s10+$0x0], $0xffff  }
0x1df: {  	v19 =	vor.u32 $0xA, v3;
	_ =	sdelay $0x3  }
0x1e0: {  	[tilespmem:v17+s15+$0x0] =	vst.idx.msk $0xffff, v18  }
0x1e1: {  	v17 =	vld.idx.msk [tilespmem:v19+s9+$0x0], $0xffff;
	v19 =	vmov v50;
	v50 =	vmov v41  }
0x1e2: {  	v26 =	vmov v16;
	v16 =	vor.u32 v50, v39  }
0x1e3: {  	v63 =	vld [tilespmem:$0x1FE40];
	v18 =	vor.u32 $0xA, v4;
	_ =	sdelay $0x3  }
0x1e4: {  	[tilespmem:v16+s15+$0x0] =	vst.idx.msk $0xffff, v17  }
0x1e5: {  	v61 =	vmov v15;
	v15 =	vor.u32 v63, v40;
	v16 =	vld.idx.msk [tilespmem:v18+s10+$0x0], $0xffff  }
0x1e6: {  	v17 =	vor.u32 $0xB, v3;
	_ =	sdelay $0x3  }
0x1e7: {  	[tilespmem:v15+s15+$0x0] =	vst.idx.msk $0xffff, v16  }
0x1e8: {  	v57 =	vmov v14;
	v14 =	vor.u32 v44, v45;
	v15 =	vld.idx.msk [tilespmem:v17+s9+$0x0], $0xffff  }
0x1e9: {  	v16 =	vor.u32 $0xB, v4;
	_ =	sdelay $0x3  }
0x1ea: {  	[tilespmem:v14+s15+$0x0] =	vst.idx.msk $0xffff, v15  }
0x1eb: {  	v13 =	vor.u32 v46, v43;
	v14 =	vld.idx.msk [tilespmem:v16+s10+$0x0], $0xffff  }
0x1ec: {  	v43 =	vld [tilespmem:$0x1FF20];
	v15 =	vor.u32 $0xC, v3;
	_ =	sdelay $0x3  }
0x1ed: {  	v10 =	vand.u32 $0xFFFFFF80, v10;
	[tilespmem:v13+s15+$0x0] =	vst.idx.msk $0xffff, v14  }
0x1ee: {  	v22 =	vmov v56;
	v56 =	vmov v12;
	v12 =	vor.u32 v43, v10;
	v13 =	vld.idx.msk [tilespmem:v15+s9+$0x0], $0xffff  }
0x1ef: {  	v0 =	vld [tilespmem:$0x1FDB0];
	v14 =	vor.u32 $0xC, v4;
	_ =	sdelay $0x3  }
0x1f0: {  	v21 =	vmov v54;
	v54 =	vmov v36;
	[tilespmem:v12+s15+$0x0] =	vst.idx.msk $0xffff, v13  }
0x1f1: {  	v11 =	vor.u32 v54, v0;
	v12 =	vld.idx.msk [tilespmem:v14+s10+$0x0], $0xffff  }
0x1f2: {  	v13 =	vor.u32 $0xD, v3;
	_ =	sdelay $0x3  }
0x1f3: {  	v9 =	vand.u32 $0xFFFFFF80, v9;
	[tilespmem:v11+s15+$0x0] =	vst.idx.msk $0xffff, v12  }
0x1f4: {  	v10 =	vor.u32 v56, v9;
	v11 =	vld.idx.msk [tilespmem:v13+s9+$0x0], $0xffff  }
0x1f5: {  	v0 =	vld [tilespmem:$0x1FDC0];
	v12 =	vor.u32 $0xD, v4;
	_ =	sdelay $0x3  }
0x1f6: {  	[tilespmem:v10+s15+$0x0] =	vst.idx.msk $0xffff, v11  }
0x1f7: {  	v9 =	vor.u32 v57, v0;
	v10 =	vld.idx.msk [tilespmem:v12+s10+$0x0], $0xffff  }
0x1f8: {  	v11 =	vor.u32 $0xE, v3  }
0x1f9: {  	v35 =	vld [tilespmem:$0x1FF30]  }
0x1fa: {  	v34 =	vld [tilespmem:$0x1FF10]  }
0x1fb: {  	v38 =	vld [tilespmem:$0x1FEF0]  }
0x1fc: {  	v40 =	vld [tilespmem:$0x1FF40];
	[tilespmem:v9+s15+$0x0] =	vst.idx.msk $0xffff, v10  }
0x1fd: {  	v8 =	vor.u32 v59, v8;
	v9 =	vld.idx.msk [tilespmem:v11+s9+$0x0], $0xffff  }
0x1fe: {  	v16 =	vld [tilespmem:$0x1FF70];
	v10 =	vor.u32 $0xE, v4  }
0x1ff: {  	v63 =	vld [tilespmem:$0x1FF00]  }
0x200: {  	v25 =	vmov v62;
	v62 =	vmov v47;
	v47 =	vld [tilespmem:$0x1FF60]  }
0x201: {  	v24 =	vmov v60;
	v60 =	vld [tilespmem:$0x1FF90]  }
0x202: {  	v7 =	vand.u32 $0xFFFFFF80, v7;
	v36 =	vld [tilespmem:$0x1FED0];
	[tilespmem:v8+s15+$0x0] =	vst.idx.msk $0xffff, v9  }
0x203: {  	v7 =	vor.u32 v16, v7;
	v8 =	vld.idx.msk [tilespmem:v10+s10+$0x0], $0xffff  }
0x204: {  	v20 =	vmov v52;
	v52 =	vmov v37;
	v37 =	vld [tilespmem:$0x1FEB0];
	v3 =	vor.u32 $0xF, v3  }
0x205: {  	v41 =	vmov v42;
	v42 =	vld [tilespmem:$0x1FEA0]  }
0x206: {  	v39 =	vld [tilespmem:$0x1FEE0]  }
0x207: {  	v18 =	vmov v44;
	v44 =	vld [tilespmem:$0x1FEC0]  }
0x208: {  	v17 =	vld [tilespmem:$0x1FF50];
	[tilespmem:v7+s15+$0x0] =	vst.idx.msk $0xffff, v8  }
0x209: {  	v6 =	vor.u32 v61, v6;
	v3 =	vld.idx.msk [tilespmem:v3+s9+$0x0], $0xffff  }
0x20a: {  	p0 =	sne.s32 s18, $0x1F0;
	v15 =	vld [tilespmem:$0x1FF80];
	v4 =	vor.u32 $0xF, v4  }
.Ltmp2:
0x20b: {  	v12 =	vld [tilespmem:$0x1FE90];
	(pc) =	sbr.rel @p0 .LBB2_6-.Ltmp2, $4  }
0x20c: {  	v11 =	vld [tilespmem:$0x1FE80]  }
0x20d: {  	v9 =	vld [tilespmem:$0x1FE70]  }
0x20e: {  	v10 =	vld [tilespmem:$0x1FE60];
	[tilespmem:v6+s15+$0x0] =	vst.idx.msk $0xffff, v3  }
0x20f: {  	s18 =	sadd.s32 $0x10, s18;
	v30 =	vmovc v55;
	v23 =	vmov v58;
	v58 =	vmov v48;
	v3 =	vld.idx.msk [tilespmem:v4+s10+$0x0], $0xffff;
	v4 =	vor.u32 v41, v5  }
0x210: {  	_ =	sdelay $0x3  }
0x211: {  	[tilespmem:v4+s15+$0x0] =	vst.idx.msk $0xffff, v3  }
0x212: {  	[hbm4b:s7+s2] =	stream.linear.scatter [tilespmem:s15], [sflag:$0x2], $0xC000, $0x38;
	[tilespmem:$0x1C400] =	vst v63  }
0x213: {  	s16 =	sadd.s32 $0x1, s16;
	_ =	swait.ge [sflag:s13], $0xC000  }
0x214: {  	p0 =	sne.s32 s16, s11;
	v8 =	vld [tilespmem:$0x1FFA0]  }
.Ltmp3:
0x215: {  	v13 =	vld [tilespmem:$0x1FFB0];
	(pc) =	sbr.rel @p0 .LBB2_1-.Ltmp3, $4  }
0x216: {  	v14 =	vld [tilespmem:$0x1FFC0]  }
0x217: {  	v55 =	vld [tilespmem:$0x1FFD0]  }
0x218: {  	[sflag:s13] =	ssyncset.done $0x0;
	v48 =	vld [tilespmem:$0x1FFE0]  }
0x219: {  	v0 =	vlaneseq.u32;
	v45 =	vld [tilespmem:$0x1FFF0];
	[sflag:s13] =	ssyncadd.s32 $0xFFFF4000  }
0x21a: {  	_ =	sfence.sel $0x180000  }
0x21b: {  	[bflag:$0x0] =	sbarrier.arrive $0xFFFF  }
0x21c: {  	p0 =	sne.s32 s1, $0x0;
	_ =	strace $0x90000047  }
0x21d: {  	s0 =	sadd.s32 @!p0 $0x100000, s0;
	[bflag:$0x2] =	sbarrier.arrive $0xFFFF  }
0x21e: {  	[sflag:s0] =	ssyncadd.tile.s32 @!p0 $0x1;
	_ =	shalt  }
.Lfunc_end2:
_tile_overlayer_lowered:
.L_overlay_start_2:
0x21f: {  	(tag) =	ssettag $0x2  }
0x220: {  	s0 =	rddreg [dreg:$0x0];
	s2 =	stileid.u32  }
0x221: {  	s1 =	rddreg [dreg:$0x1];
	p0 =	sne.s32 s2, $0x0  }
0x222: {  	s3 =	rddreg [dreg:$0x2];
	[bflag:$0x3] =	sbarrier.arrive $0xFFFF;
	s2 =	simm.s32 @!p0 $0x1C02  }
0x223: {  	[timem:s3], [sflag:s2] =	dma.local @!p0 [hbm:s0], s1  }
0x224: {  	s0 =	simm.s32 @!p0 $0x2  }
0x225: {  	_ =	swait.ge @!p0 [sflag:s0], s1  }
0x226: {  	s1 =	ssub.s32 @!p0 $0x0, s1;
	[sflag:s0] =	ssyncset.done @!p0 $0x0  }
0x227: {  	[sflag:s0] =	ssyncadd.s32 @!p0 s1  }
0x228: {  	[bflag:$0x3] =	sbarrier.arrive $0xFFFF  }
0x229: {  	_ =	shalt  }

</sc_bundles>
